<compile_context>
chip_gen: v7x
topology: tpu7x:2x2x1
jax: 0.10.2.dev20260603
libtpu: 0.0.44.dev20260713+nightly
codegen_flags: <defaults>
</compile_context>

<pallas_src>
import functools

import jax
import jax.numpy as jnp
from jax import lax
from jax.experimental import pallas as pl
from jax.experimental.pallas import tpu as pltpu
from jax.experimental.pallas import tpu_sc as plsc

NUM_RELS = 100000
EMB_DIM = 512
BATCH = 16384

_info = plsc.get_sparse_core_info()
_NC, _NS = _info.num_cores, _info.num_subcores
NW = _NC * _NS
B_PER_W = BATCH // NW
CHUNK = 32
NCHUNK = B_PER_W // CHUNK
NBUF = 6
DEFER = 2

_mesh = plsc.VectorSubcoreMesh(core_axis_name="c", subcore_axis_name="s")


@functools.partial(
    pl.kernel,
    mesh=_mesh,
    out_type=jax.ShapeDtypeStruct((BATCH, EMB_DIM), jnp.float32),
    scratch_types=[
        pltpu.VMEM((NCHUNK, CHUNK), jnp.int32),
        pltpu.VMEM((NBUF, CHUNK, EMB_DIM), jnp.float32),
    ] + [pltpu.SemaphoreType.DMA] * (2 * NBUF + 1),
)
def _gather_kernel(idx_hbm, table_hbm, out_hbm, idx_v, rows_v, *sems):
    gsem = sems[:NBUF]
    wsem = sems[NBUF:2 * NBUF]
    isem = sems[2 * NBUF]
    wid = lax.axis_index("s") * _NC + lax.axis_index("c")
    base = wid * B_PER_W
    pltpu.async_copy(
        idx_hbm.at[pl.ds(wid * NCHUNK, NCHUNK)], idx_v, isem).wait()

    def gather(j):
        b = j % NBUF
        return pltpu.async_copy(table_hbm.at[idx_v.at[j]], rows_v.at[b],
                                gsem[b])

    def writeback(j):
        b = j % NBUF
        return pltpu.async_copy(
            rows_v.at[b], out_hbm.at[pl.ds(base + j * CHUNK, CHUNK)], wsem[b])

    gh = {}
    wh = {}
    for b in range(NBUF):
        gh[b] = gather(b)
    for j in range(NCHUNK):
        pj = j - DEFER
        if pj >= 0 and pj + NBUF < NCHUNK:
            wh[pj].wait()
            gh[pj + NBUF] = gather(pj + NBUF)
        gh[j].wait()
        wh[j] = writeback(j)
    for j in range(NCHUNK):
        if j + DEFER >= NCHUNK or j + NBUF >= NCHUNK:
            wh[j].wait()


def kernel(rel_ids, clip_embs):
    idx = rel_ids.astype(jnp.int32).reshape(NW * NCHUNK, CHUNK)
    return _gather_kernel(idx, clip_embs)

# --- scband reference (transcript-rebuilt; emitter-appended) ---
"""Pipeline reference for scband-cliprelation-embedding-75952201662546 (READ-ONLY COPY).

The authoritative reference and input builder live on the scoring server;
editing this copy changes nothing except your own understanding.
"""

import jax, jax.numpy as jnp
import numpy as np

NUM_RELS = 100000
EMB_DIM = 512
BATCH = 16384

def setup_inputs(seed: int = 0) -> dict:
    key = jax.random.key(seed)
    k1, k2 = jax.random.split(key)
    clip_embs = jax.random.normal(k1, (NUM_RELS, EMB_DIM), dtype=jnp.float32)
    rel_ids = jax.random.randint(k2, (BATCH,), 0, NUM_RELS, dtype=jnp.int64)
    return {"rel_ids": rel_ids, "clip_embs": clip_embs}

def reference(rel_ids, clip_embs):
    rel_ids = rel_ids.reshape(-1).astype(jnp.int64)
    return jnp.take(clip_embs, rel_ids, axis=0)

if __name__ == "__main__":
    import jax
    _d = setup_inputs()
    print(jax.jit(kernel)(*tuple(_d.values())))

</pallas_src>

<mosaic_0001>
#map = affine_map<(d0, d1) -> (0, 0)>
module attributes {stable_mosaic.version = 14 : i64} {
  func.func @_gather_kernel(%arg0: i32, %arg1: i32, %arg2: memref<512x32xi32, #tpu.memory_space<hbm>>, %arg3: memref<100000x512xf32, #tpu.memory_space<hbm>>, %arg4: memref<16384x512xf32, #tpu.memory_space<hbm>>, %arg5: memref<16x32xi32, #tpu.memory_space<vmem>>, %arg6: memref<6x32x512xf32, #tpu.memory_space<vmem>>, %arg7: memref<!tpu.dma_semaphore, #tpu.memory_space<semaphore_mem>>, %arg8: memref<!tpu.dma_semaphore, #tpu.memory_space<semaphore_mem>>, %arg9: memref<!tpu.dma_semaphore, #tpu.memory_space<semaphore_mem>>, %arg10: memref<!tpu.dma_semaphore, #tpu.memory_space<semaphore_mem>>, %arg11: memref<!tpu.dma_semaphore, #tpu.memory_space<semaphore_mem>>, %arg12: memref<!tpu.dma_semaphore, #tpu.memory_space<semaphore_mem>>, %arg13: memref<!tpu.dma_semaphore, #tpu.memory_space<semaphore_mem>>, %arg14: memref<!tpu.dma_semaphore, #tpu.memory_space<semaphore_mem>>, %arg15: memref<!tpu.dma_semaphore, #tpu.memory_space<semaphore_mem>>, %arg16: memref<!tpu.dma_semaphore, #tpu.memory_space<semaphore_mem>>, %arg17: memref<!tpu.dma_semaphore, #tpu.memory_space<semaphore_mem>>, %arg18: memref<!tpu.dma_semaphore, #tpu.memory_space<semaphore_mem>>, %arg19: memref<!tpu.dma_semaphore, #tpu.memory_space<semaphore_mem>>) attributes {dimension_semantics = [#tpu.dimension_semantics<core_parallel>, #tpu.dimension_semantics<subcore_parallel>], iteration_bounds = array<i64: 2, 16>, scalar_prefetch = 0 : i64, scratch_operands = 15 : i64, tpu.core_type = #tpu.core_type<sc_vector_subcore>, window_params = [{transform_indices = #map}, {transform_indices = #map}, {transform_indices = #map}]} {
    %mul3A = arith.constant 2 : i32
    %mul3A_0 = arith.muli %arg1, %mul3A : i32
    %add3A = arith.addi %mul3A_0, %arg0 : i32
    %mul3A_1 = arith.constant 512 : i32
    %mul3A_2 = arith.muli %add3A, %mul3A_1 : i32
    %mul3A_3 = arith.constant 16 : i32
    %mul3A_4 = arith.muli %add3A, %mul3A_3 : i32
    %dma_start3A = arith.constant 0 : i32
    %dma_start3A_5 = tpu.memref_slice %arg2[%mul3A_4, %dma_start3A] : memref<512x32xi32, #tpu.memory_space<hbm>> -> memref<16x32xi32, #tpu.memory_space<hbm>>
    %dma_start3A_6 = arith.constant 0 : i32
    %dma_start3A_7 = tpu.memref_slice %arg2[%mul3A_4, %dma_start3A_6] : memref<512x32xi32, #tpu.memory_space<hbm>> -> memref<16x32xi32, #tpu.memory_space<hbm>>
    tpu.enqueue_dma source(%dma_start3A_7 : memref<16x32xi32, #tpu.memory_space<hbm>>) target(%arg5 : memref<16x32xi32, #tpu.memory_space<vmem>>) target_semaphore(%arg19 : memref<!tpu.dma_semaphore, #tpu.memory_space<semaphore_mem>>)
    %dma_wait3A = arith.constant 0 : i32
    %dma_wait3A_8 = tpu.memref_slice %arg2[%mul3A_4, %dma_wait3A] : memref<512x32xi32, #tpu.memory_space<hbm>> -> memref<16x32xi32, #tpu.memory_space<hbm>>
    %dma_wait3A_9 = arith.constant 0 : i32
    %dma_wait3A_10 = tpu.memref_slice %arg2[%mul3A_4, %dma_wait3A_9] : memref<512x32xi32, #tpu.memory_space<hbm>> -> memref<16x32xi32, #tpu.memory_space<hbm>>
    tpu.wait_dma2 semaphore(%arg19 : memref<!tpu.dma_semaphore, #tpu.memory_space<semaphore_mem>>) src(%dma_wait3A_10 : memref<16x32xi32, #tpu.memory_space<hbm>>) dst(%arg5 : memref<16x32xi32, #tpu.memory_space<vmem>>)
    %dma_start3A_11 = arith.constant 0 : i32
    %dma_start3A_12 = arith.constant 0 : i32
    %dma_start3A_13 = arith.constant 0 : i32
    %dma_start3A_14 = arith.constant 0 : i32
    %dma_start3A_15 = tpu.memref_slice %arg6[%dma_start3A_12, %dma_start3A_13, %dma_start3A_14] : memref<6x32x512xf32, #tpu.memory_space<vmem>> -> memref<1x32x512xf32, #tpu.memory_space<vmem>>
    %dma_start3A_16 = tpu.memref_squeeze %dma_start3A_15 : memref<1x32x512xf32, #tpu.memory_space<vmem>> -> memref<32x512xf32, #tpu.memory_space<vmem>>
    %dma_start3A_17 = arith.constant 0 : i32
    %dma_start3A_18 = tpu.memref_slice %arg5[%dma_start3A_11, %dma_start3A_17] : memref<16x32xi32, #tpu.memory_space<vmem>> -> memref<1x32xi32, #tpu.memory_space<vmem>>
    %dma_start3A_19 = tpu.memref_squeeze %dma_start3A_18 : memref<1x32xi32, #tpu.memory_space<vmem>> -> memref<32xi32, #tpu.memory_space<vmem>>
    %dma_start3A_20 = arith.constant 0 : i32
    %dma_start3A_21 = arith.constant 0 : i32
    %dma_start3A_22 = tpu.memref_slice %arg3[%dma_start3A_20, %dma_start3A_21] : memref<100000x512xf32, #tpu.memory_space<hbm>> -> memref<100000x512xf32, #tpu.memory_space<hbm>>
    tpu.enqueue_indirect_dma source(%dma_start3A_22 : memref<100000x512xf32, #tpu.memory_space<hbm>>) target(%dma_start3A_16 : memref<32x512xf32, #tpu.memory_space<vmem>>) offsets(%dma_start3A_19 : memref<32xi32, #tpu.memory_space<vmem>>) semaphore(%arg7 : memref<!tpu.dma_semaphore, #tpu.memory_space<semaphore_mem>>)
    %dma_start3A_23 = arith.constant 1 : i32
    %dma_start3A_24 = arith.constant 1 : i32
    %dma_start3A_25 = arith.constant 0 : i32
    %dma_start3A_26 = arith.constant 0 : i32
    %dma_start3A_27 = tpu.memref_slice %arg6[%dma_start3A_24, %dma_start3A_25, %dma_start3A_26] : memref<6x32x512xf32, #tpu.memory_space<vmem>> -> memref<1x32x512xf32, #tpu.memory_space<vmem>>
    %dma_start3A_28 = tpu.memref_squeeze %dma_start3A_27 : memref<1x32x512xf32, #tpu.memory_space<vmem>> -> memref<32x512xf32, #tpu.memory_space<vmem>>
    %dma_start3A_29 = arith.constant 0 : i32
    %dma_start3A_30 = tpu.memref_slice %arg5[%dma_start3A_23, %dma_start3A_29] : memref<16x32xi32, #tpu.memory_space<vmem>> -> memref<1x32xi32, #tpu.memory_space<vmem>>
    %dma_start3A_31 = tpu.memref_squeeze %dma_start3A_30 : memref<1x32xi32, #tpu.memory_space<vmem>> -> memref<32xi32, #tpu.memory_space<vmem>>
    %dma_start3A_32 = arith.constant 0 : i32
    %dma_start3A_33 = arith.constant 0 : i32
    %dma_start3A_34 = tpu.memref_slice %arg3[%dma_start3A_32, %dma_start3A_33] : memref<100000x512xf32, #tpu.memory_space<hbm>> -> memref<100000x512xf32, #tpu.memory_space<hbm>>
    tpu.enqueue_indirect_dma source(%dma_start3A_34 : memref<100000x512xf32, #tpu.memory_space<hbm>>) target(%dma_start3A_28 : memref<32x512xf32, #tpu.memory_space<vmem>>) offsets(%dma_start3A_31 : memref<32xi32, #tpu.memory_space<vmem>>) semaphore(%arg8 : memref<!tpu.dma_semaphore, #tpu.memory_space<semaphore_mem>>)
    %dma_start3A_35 = arith.constant 2 : i32
    %dma_start3A_36 = arith.constant 2 : i32
    %dma_start3A_37 = arith.constant 0 : i32
    %dma_start3A_38 = arith.constant 0 : i32
    %dma_start3A_39 = tpu.memref_slice %arg6[%dma_start3A_36, %dma_start3A_37, %dma_start3A_38] : memref<6x32x512xf32, #tpu.memory_space<vmem>> -> memref<1x32x512xf32, #tpu.memory_space<vmem>>
    %dma_start3A_40 = tpu.memref_squeeze %dma_start3A_39 : memref<1x32x512xf32, #tpu.memory_space<vmem>> -> memref<32x512xf32, #tpu.memory_space<vmem>>
    %dma_start3A_41 = arith.constant 0 : i32
    %dma_start3A_42 = tpu.memref_slice %arg5[%dma_start3A_35, %dma_start3A_41] : memref<16x32xi32, #tpu.memory_space<vmem>> -> memref<1x32xi32, #tpu.memory_space<vmem>>
    %dma_start3A_43 = tpu.memref_squeeze %dma_start3A_42 : memref<1x32xi32, #tpu.memory_space<vmem>> -> memref<32xi32, #tpu.memory_space<vmem>>
    %dma_start3A_44 = arith.constant 0 : i32
    %dma_start3A_45 = arith.constant 0 : i32
    %dma_start3A_46 = tpu.memref_slice %arg3[%dma_start3A_44, %dma_start3A_45] : memref<100000x512xf32, #tpu.memory_space<hbm>> -> memref<100000x512xf32, #tpu.memory_space<hbm>>
    tpu.enqueue_indirect_dma source(%dma_start3A_46 : memref<100000x512xf32, #tpu.memory_space<hbm>>) target(%dma_start3A_40 : memref<32x512xf32, #tpu.memory_space<vmem>>) offsets(%dma_start3A_43 : memref<32xi32, #tpu.memory_space<vmem>>) semaphore(%arg9 : memref<!tpu.dma_semaphore, #tpu.memory_space<semaphore_mem>>)
    %dma_start3A_47 = arith.constant 3 : i32
    %dma_start3A_48 = arith.constant 3 : i32
    %dma_start3A_49 = arith.constant 0 : i32
    %dma_start3A_50 = arith.constant 0 : i32
    %dma_start3A_51 = tpu.memref_slice %arg6[%dma_start3A_48, %dma_start3A_49, %dma_start3A_50] : memref<6x32x512xf32, #tpu.memory_space<vmem>> -> memref<1x32x512xf32, #tpu.memory_space<vmem>>
    %dma_start3A_52 = tpu.memref_squeeze %dma_start3A_51 : memref<1x32x512xf32, #tpu.memory_space<vmem>> -> memref<32x512xf32, #tpu.memory_space<vmem>>
    %dma_start3A_53 = arith.constant 0 : i32
    %dma_start3A_54 = tpu.memref_slice %arg5[%dma_start3A_47, %dma_start3A_53] : memref<16x32xi32, #tpu.memory_space<vmem>> -> memref<1x32xi32, #tpu.memory_space<vmem>>
    %dma_start3A_55 = tpu.memref_squeeze %dma_start3A_54 : memref<1x32xi32, #tpu.memory_space<vmem>> -> memref<32xi32, #tpu.memory_space<vmem>>
    %dma_start3A_56 = arith.constant 0 : i32
    %dma_start3A_57 = arith.constant 0 : i32
    %dma_start3A_58 = tpu.memref_slice %arg3[%dma_start3A_56, %dma_start3A_57] : memref<100000x512xf32, #tpu.memory_space<hbm>> -> memref<100000x512xf32, #tpu.memory_space<hbm>>
    tpu.enqueue_indirect_dma source(%dma_start3A_58 : memref<100000x512xf32, #tpu.memory_space<hbm>>) target(%dma_start3A_52 : memref<32x512xf32, #tpu.memory_space<vmem>>) offsets(%dma_start3A_55 : memref<32xi32, #tpu.memory_space<vmem>>) semaphore(%arg10 : memref<!tpu.dma_semaphore, #tpu.memory_space<semaphore_mem>>)
    %dma_start3A_59 = arith.constant 4 : i32
    %dma_start3A_60 = arith.constant 4 : i32
    %dma_start3A_61 = arith.constant 0 : i32
    %dma_start3A_62 = arith.constant 0 : i32
    %dma_start3A_63 = tpu.memref_slice %arg6[%dma_start3A_60, %dma_start3A_61, %dma_start3A_62] : memref<6x32x512xf32, #tpu.memory_space<vmem>> -> memref<1x32x512xf32, #tpu.memory_space<vmem>>
    %dma_start3A_64 = tpu.memref_squeeze %dma_start3A_63 : memref<1x32x512xf32, #tpu.memory_space<vmem>> -> memref<32x512xf32, #tpu.memory_space<vmem>>
    %dma_start3A_65 = arith.constant 0 : i32
    %dma_start3A_66 = tpu.memref_slice %arg5[%dma_start3A_59, %dma_start3A_65] : memref<16x32xi32, #tpu.memory_space<vmem>> -> memref<1x32xi32, #tpu.memory_space<vmem>>
    %dma_start3A_67 = tpu.memref_squeeze %dma_start3A_66 : memref<1x32xi32, #tpu.memory_space<vmem>> -> memref<32xi32, #tpu.memory_space<vmem>>
    %dma_start3A_68 = arith.constant 0 : i32
    %dma_start3A_69 = arith.constant 0 : i32
    %dma_start3A_70 = tpu.memref_slice %arg3[%dma_start3A_68, %dma_start3A_69] : memref<100000x512xf32, #tpu.memory_space<hbm>> -> memref<100000x512xf32, #tpu.memory_space<hbm>>
    tpu.enqueue_indirect_dma source(%dma_start3A_70 : memref<100000x512xf32, #tpu.memory_space<hbm>>) target(%dma_start3A_64 : memref<32x512xf32, #tpu.memory_space<vmem>>) offsets(%dma_start3A_67 : memref<32xi32, #tpu.memory_space<vmem>>) semaphore(%arg11 : memref<!tpu.dma_semaphore, #tpu.memory_space<semaphore_mem>>)
    %dma_start3A_71 = arith.constant 5 : i32
    %dma_start3A_72 = arith.constant 5 : i32
    %dma_start3A_73 = arith.constant 0 : i32
    %dma_start3A_74 = arith.constant 0 : i32
    %dma_start3A_75 = tpu.memref_slice %arg6[%dma_start3A_72, %dma_start3A_73, %dma_start3A_74] : memref<6x32x512xf32, #tpu.memory_space<vmem>> -> memref<1x32x512xf32, #tpu.memory_space<vmem>>
    %dma_start3A_76 = tpu.memref_squeeze %dma_start3A_75 : memref<1x32x512xf32, #tpu.memory_space<vmem>> -> memref<32x512xf32, #tpu.memory_space<vmem>>
    %dma_start3A_77 = arith.constant 0 : i32
    %dma_start3A_78 = tpu.memref_slice %arg5[%dma_start3A_71, %dma_start3A_77] : memref<16x32xi32, #tpu.memory_space<vmem>> -> memref<1x32xi32, #tpu.memory_space<vmem>>
    %dma_start3A_79 = tpu.memref_squeeze %dma_start3A_78 : memref<1x32xi32, #tpu.memory_space<vmem>> -> memref<32xi32, #tpu.memory_space<vmem>>
    %dma_start3A_80 = arith.constant 0 : i32
    %dma_start3A_81 = arith.constant 0 : i32
    %dma_start3A_82 = tpu.memref_slice %arg3[%dma_start3A_80, %dma_start3A_81] : memref<100000x512xf32, #tpu.memory_space<hbm>> -> memref<100000x512xf32, #tpu.memory_space<hbm>>
    tpu.enqueue_indirect_dma source(%dma_start3A_82 : memref<100000x512xf32, #tpu.memory_space<hbm>>) target(%dma_start3A_76 : memref<32x512xf32, #tpu.memory_space<vmem>>) offsets(%dma_start3A_79 : memref<32xi32, #tpu.memory_space<vmem>>) semaphore(%arg12 : memref<!tpu.dma_semaphore, #tpu.memory_space<semaphore_mem>>)
    %dma_wait3A_83 = arith.constant 0 : i32
    %dma_wait3A_84 = arith.constant 0 : i32
    %dma_wait3A_85 = arith.constant 0 : i32
    %dma_wait3A_86 = arith.constant 0 : i32
    %dma_wait3A_87 = tpu.memref_slice %arg6[%dma_wait3A_84, %dma_wait3A_85, %dma_wait3A_86] : memref<6x32x512xf32, #tpu.memory_space<vmem>> -> memref<1x32x512xf32, #tpu.memory_space<vmem>>
    %dma_wait3A_88 = tpu.memref_squeeze %dma_wait3A_87 : memref<1x32x512xf32, #tpu.memory_space<vmem>> -> memref<32x512xf32, #tpu.memory_space<vmem>>
    %dma_wait3A_89 = arith.constant 0 : i32
    %dma_wait3A_90 = tpu.memref_slice %arg5[%dma_wait3A_83, %dma_wait3A_89] : memref<16x32xi32, #tpu.memory_space<vmem>> -> memref<1x32xi32, #tpu.memory_space<vmem>>
    %dma_wait3A_91 = tpu.memref_squeeze %dma_wait3A_90 : memref<1x32xi32, #tpu.memory_space<vmem>> -> memref<32xi32, #tpu.memory_space<vmem>>
    %dma_wait3A_92 = arith.constant 0 : i32
    %dma_wait3A_93 = arith.constant 0 : i32
    %dma_wait3A_94 = tpu.memref_slice %arg3[%dma_wait3A_92, %dma_wait3A_93] : memref<100000x512xf32, #tpu.memory_space<hbm>> -> memref<100000x512xf32, #tpu.memory_space<hbm>>
    tpu.wait_indirect_dma semaphore(%arg7 : memref<!tpu.dma_semaphore, #tpu.memory_space<semaphore_mem>>) src(%dma_wait3A_94 : memref<100000x512xf32, #tpu.memory_space<hbm>>) dst(%dma_wait3A_88 : memref<32x512xf32, #tpu.memory_space<vmem>>)
    %add3A_95 = arith.constant 0 : i32
    %add3A_96 = arith.addi %mul3A_2, %add3A_95 : i32
    %dma_start3A_97 = arith.constant 0 : i32
    %dma_start3A_98 = arith.constant 0 : i32
    %dma_start3A_99 = arith.constant 0 : i32
    %dma_start3A_100 = tpu.memref_slice %arg6[%dma_start3A_97, %dma_start3A_98, %dma_start3A_99] : memref<6x32x512xf32, #tpu.memory_space<vmem>> -> memref<1x32x512xf32, #tpu.memory_space<vmem>>
    %dma_start3A_101 = tpu.memref_squeeze %dma_start3A_100 : memref<1x32x512xf32, #tpu.memory_space<vmem>> -> memref<32x512xf32, #tpu.memory_space<vmem>>
    %dma_start3A_102 = arith.constant 0 : i32
    %dma_start3A_103 = tpu.memref_slice %arg4[%add3A_96, %dma_start3A_102] : memref<16384x512xf32, #tpu.memory_space<hbm>> -> memref<32x512xf32, #tpu.memory_space<hbm>>
    %dma_start3A_104 = arith.constant 0 : i32
    %dma_start3A_105 = tpu.memref_slice %arg4[%add3A_96, %dma_start3A_104] : memref<16384x512xf32, #tpu.memory_space<hbm>> -> memref<32x512xf32, #tpu.memory_space<hbm>>
    %dma_start3A_106 = arith.constant 0 : i32
    %dma_start3A_107 = arith.constant 0 : i32
    %dma_start3A_108 = tpu.memref_slice %arg6[%dma_start3A_97, %dma_start3A_106, %dma_start3A_107] : memref<6x32x512xf32, #tpu.memory_space<vmem>> -> memref<1x32x512xf32, #tpu.memory_space<vmem>>
    %dma_start3A_109 = tpu.memref_squeeze %dma_start3A_108 : memref<1x32x512xf32, #tpu.memory_space<vmem>> -> memref<32x512xf32, #tpu.memory_space<vmem>>
    tpu.enqueue_dma source(%dma_start3A_109 : memref<32x512xf32, #tpu.memory_space<vmem>>) target(%dma_start3A_105 : memref<32x512xf32, #tpu.memory_space<hbm>>) target_semaphore(%arg13 : memref<!tpu.dma_semaphore, #tpu.memory_space<semaphore_mem>>)
    %dma_wait3A_110 = arith.constant 1 : i32
    %dma_wait3A_111 = arith.constant 1 : i32
    %dma_wait3A_112 = arith.constant 0 : i32
    %dma_wait3A_113 = arith.constant 0 : i32
    %dma_wait3A_114 = tpu.memref_slice %arg6[%dma_wait3A_111, %dma_wait3A_112, %dma_wait3A_113] : memref<6x32x512xf32, #tpu.memory_space<vmem>> -> memref<1x32x512xf32, #tpu.memory_space<vmem>>
    %dma_wait3A_115 = tpu.memref_squeeze %dma_wait3A_114 : memref<1x32x512xf32, #tpu.memory_space<vmem>> -> memref<32x512xf32, #tpu.memory_space<vmem>>
    %dma_wait3A_116 = arith.constant 0 : i32
    %dma_wait3A_117 = tpu.memref_slice %arg5[%dma_wait3A_110, %dma_wait3A_116] : memref<16x32xi32, #tpu.memory_space<vmem>> -> memref<1x32xi32, #tpu.memory_space<vmem>>
    %dma_wait3A_118 = tpu.memref_squeeze %dma_wait3A_117 : memref<1x32xi32, #tpu.memory_space<vmem>> -> memref<32xi32, #tpu.memory_space<vmem>>
    %dma_wait3A_119 = arith.constant 0 : i32
    %dma_wait3A_120 = arith.constant 0 : i32
    %dma_wait3A_121 = tpu.memref_slice %arg3[%dma_wait3A_119, %dma_wait3A_120] : memref<100000x512xf32, #tpu.memory_space<hbm>> -> memref<100000x512xf32, #tpu.memory_space<hbm>>
    tpu.wait_indirect_dma semaphore(%arg8 : memref<!tpu.dma_semaphore, #tpu.memory_space<semaphore_mem>>) src(%dma_wait3A_121 : memref<100000x512xf32, #tpu.memory_space<hbm>>) dst(%dma_wait3A_115 : memref<32x512xf32, #tpu.memory_space<vmem>>)
    %add3A_122 = arith.constant 32 : i32
    %add3A_123 = arith.addi %mul3A_2, %add3A_122 : i32
    %dma_start3A_124 = arith.constant 1 : i32
    %dma_start3A_125 = arith.constant 0 : i32
    %dma_start3A_126 = arith.constant 0 : i32
    %dma_start3A_127 = tpu.memref_slice %arg6[%dma_start3A_124, %dma_start3A_125, %dma_start3A_126] : memref<6x32x512xf32, #tpu.memory_space<vmem>> -> memref<1x32x512xf32, #tpu.memory_space<vmem>>
    %dma_start3A_128 = tpu.memref_squeeze %dma_start3A_127 : memref<1x32x512xf32, #tpu.memory_space<vmem>> -> memref<32x512xf32, #tpu.memory_space<vmem>>
    %dma_start3A_129 = arith.constant 0 : i32
    %dma_start3A_130 = tpu.memref_slice %arg4[%add3A_123, %dma_start3A_129] : memref<16384x512xf32, #tpu.memory_space<hbm>> -> memref<32x512xf32, #tpu.memory_space<hbm>>
    %dma_start3A_131 = arith.constant 0 : i32
    %dma_start3A_132 = tpu.memref_slice %arg4[%add3A_123, %dma_start3A_131] : memref<16384x512xf32, #tpu.memory_space<hbm>> -> memref<32x512xf32, #tpu.memory_space<hbm>>
    %dma_start3A_133 = arith.constant 0 : i32
    %dma_start3A_134 = arith.constant 0 : i32
    %dma_start3A_135 = tpu.memref_slice %arg6[%dma_start3A_124, %dma_start3A_133, %dma_start3A_134] : memref<6x32x512xf32, #tpu.memory_space<vmem>> -> memref<1x32x512xf32, #tpu.memory_space<vmem>>
    %dma_start3A_136 = tpu.memref_squeeze %dma_start3A_135 : memref<1x32x512xf32, #tpu.memory_space<vmem>> -> memref<32x512xf32, #tpu.memory_space<vmem>>
    tpu.enqueue_dma source(%dma_start3A_136 : memref<32x512xf32, #tpu.memory_space<vmem>>) target(%dma_start3A_132 : memref<32x512xf32, #tpu.memory_space<hbm>>) target_semaphore(%arg14 : memref<!tpu.dma_semaphore, #tpu.memory_space<semaphore_mem>>)
    %dma_wait3A_137 = arith.constant 0 : i32
    %dma_wait3A_138 = arith.constant 0 : i32
    %dma_wait3A_139 = arith.constant 0 : i32
    %dma_wait3A_140 = tpu.memref_slice %arg6[%dma_wait3A_137, %dma_wait3A_138, %dma_wait3A_139] : memref<6x32x512xf32, #tpu.memory_space<vmem>> -> memref<1x32x512xf32, #tpu.memory_space<vmem>>
    %dma_wait3A_141 = tpu.memref_squeeze %dma_wait3A_140 : memref<1x32x512xf32, #tpu.memory_space<vmem>> -> memref<32x512xf32, #tpu.memory_space<vmem>>
    %dma_wait3A_142 = arith.constant 0 : i32
    %dma_wait3A_143 = tpu.memref_slice %arg4[%add3A_96, %dma_wait3A_142] : memref<16384x512xf32, #tpu.memory_space<hbm>> -> memref<32x512xf32, #tpu.memory_space<hbm>>
    %dma_wait3A_144 = arith.constant 0 : i32
    %dma_wait3A_145 = tpu.memref_slice %arg4[%add3A_96, %dma_wait3A_144] : memref<16384x512xf32, #tpu.memory_space<hbm>> -> memref<32x512xf32, #tpu.memory_space<hbm>>
    %dma_wait3A_146 = arith.constant 0 : i32
    %dma_wait3A_147 = arith.constant 0 : i32
    %dma_wait3A_148 = tpu.memref_slice %arg6[%dma_wait3A_137, %dma_wait3A_146, %dma_wait3A_147] : memref<6x32x512xf32, #tpu.memory_space<vmem>> -> memref<1x32x512xf32, #tpu.memory_space<vmem>>
    %dma_wait3A_149 = tpu.memref_squeeze %dma_wait3A_148 : memref<1x32x512xf32, #tpu.memory_space<vmem>> -> memref<32x512xf32, #tpu.memory_space<vmem>>
    tpu.wait_dma2 semaphore(%arg13 : memref<!tpu.dma_semaphore, #tpu.memory_space<semaphore_mem>>) src(%dma_wait3A_149 : memref<32x512xf32, #tpu.memory_space<vmem>>) dst(%dma_wait3A_145 : memref<32x512xf32, #tpu.memory_space<hbm>>)
    %dma_start3A_150 = arith.constant 6 : i32
    %dma_start3A_151 = arith.constant 0 : i32
    %dma_start3A_152 = arith.constant 0 : i32
    %dma_start3A_153 = arith.constant 0 : i32
    %dma_start3A_154 = tpu.memref_slice %arg6[%dma_start3A_151, %dma_start3A_152, %dma_start3A_153] : memref<6x32x512xf32, #tpu.memory_space<vmem>> -> memref<1x32x512xf32, #tpu.memory_space<vmem>>
    %dma_start3A_155 = tpu.memref_squeeze %dma_start3A_154 : memref<1x32x512xf32, #tpu.memory_space<vmem>> -> memref<32x512xf32, #tpu.memory_space<vmem>>
    %dma_start3A_156 = arith.constant 0 : i32
    %dma_start3A_157 = tpu.memref_slice %arg5[%dma_start3A_150, %dma_start3A_156] : memref<16x32xi32, #tpu.memory_space<vmem>> -> memref<1x32xi32, #tpu.memory_space<vmem>>
    %dma_start3A_158 = tpu.memref_squeeze %dma_start3A_157 : memref<1x32xi32, #tpu.memory_space<vmem>> -> memref<32xi32, #tpu.memory_space<vmem>>
    %dma_start3A_159 = arith.constant 0 : i32
    %dma_start3A_160 = arith.constant 0 : i32
    %dma_start3A_161 = tpu.memref_slice %arg3[%dma_start3A_159, %dma_start3A_160] : memref<100000x512xf32, #tpu.memory_space<hbm>> -> memref<100000x512xf32, #tpu.memory_space<hbm>>
    tpu.enqueue_indirect_dma source(%dma_start3A_161 : memref<100000x512xf32, #tpu.memory_space<hbm>>) target(%dma_start3A_155 : memref<32x512xf32, #tpu.memory_space<vmem>>) offsets(%dma_start3A_158 : memref<32xi32, #tpu.memory_space<vmem>>) semaphore(%arg7 : memref<!tpu.dma_semaphore, #tpu.memory_space<semaphore_mem>>)
    %dma_wait3A_162 = arith.constant 2 : i32
    %dma_wait3A_163 = arith.constant 2 : i32
    %dma_wait3A_164 = arith.constant 0 : i32
    %dma_wait3A_165 = arith.constant 0 : i32
    %dma_wait3A_166 = tpu.memref_slice %arg6[%dma_wait3A_163, %dma_wait3A_164, %dma_wait3A_165] : memref<6x32x512xf32, #tpu.memory_space<vmem>> -> memref<1x32x512xf32, #tpu.memory_space<vmem>>
    %dma_wait3A_167 = tpu.memref_squeeze %dma_wait3A_166 : memref<1x32x512xf32, #tpu.memory_space<vmem>> -> memref<32x512xf32, #tpu.memory_space<vmem>>
    %dma_wait3A_168 = arith.constant 0 : i32
    %dma_wait3A_169 = tpu.memref_slice %arg5[%dma_wait3A_162, %dma_wait3A_168] : memref<16x32xi32, #tpu.memory_space<vmem>> -> memref<1x32xi32, #tpu.memory_space<vmem>>
    %dma_wait3A_170 = tpu.memref_squeeze %dma_wait3A_169 : memref<1x32xi32, #tpu.memory_space<vmem>> -> memref<32xi32, #tpu.memory_space<vmem>>
    %dma_wait3A_171 = arith.constant 0 : i32
    %dma_wait3A_172 = arith.constant 0 : i32
    %dma_wait3A_173 = tpu.memref_slice %arg3[%dma_wait3A_171, %dma_wait3A_172] : memref<100000x512xf32, #tpu.memory_space<hbm>> -> memref<100000x512xf32, #tpu.memory_space<hbm>>
    tpu.wait_indirect_dma semaphore(%arg9 : memref<!tpu.dma_semaphore, #tpu.memory_space<semaphore_mem>>) src(%dma_wait3A_173 : memref<100000x512xf32, #tpu.memory_space<hbm>>) dst(%dma_wait3A_167 : memref<32x512xf32, #tpu.memory_space<vmem>>)
    %add3A_174 = arith.constant 64 : i32
    %add3A_175 = arith.addi %mul3A_2, %add3A_174 : i32
    %dma_start3A_176 = arith.constant 2 : i32
    %dma_start3A_177 = arith.constant 0 : i32
    %dma_start3A_178 = arith.constant 0 : i32
    %dma_start3A_179 = tpu.memref_slice %arg6[%dma_start3A_176, %dma_start3A_177, %dma_start3A_178] : memref<6x32x512xf32, #tpu.memory_space<vmem>> -> memref<1x32x512xf32, #tpu.memory_space<vmem>>
    %dma_start3A_180 = tpu.memref_squeeze %dma_start3A_179 : memref<1x32x512xf32, #tpu.memory_space<vmem>> -> memref<32x512xf32, #tpu.memory_space<vmem>>
    %dma_start3A_181 = arith.constant 0 : i32
    %dma_start3A_182 = tpu.memref_slice %arg4[%add3A_175, %dma_start3A_181] : memref<16384x512xf32, #tpu.memory_space<hbm>> -> memref<32x512xf32, #tpu.memory_space<hbm>>
    %dma_start3A_183 = arith.constant 0 : i32
    %dma_start3A_184 = tpu.memref_slice %arg4[%add3A_175, %dma_start3A_183] : memref<16384x512xf32, #tpu.memory_space<hbm>> -> memref<32x512xf32, #tpu.memory_space<hbm>>
    %dma_start3A_185 = arith.constant 0 : i32
    %dma_start3A_186 = arith.constant 0 : i32
    %dma_start3A_187 = tpu.memref_slice %arg6[%dma_start3A_176, %dma_start3A_185, %dma_start3A_186] : memref<6x32x512xf32, #tpu.memory_space<vmem>> -> memref<1x32x512xf32, #tpu.memory_space<vmem>>
    %dma_start3A_188 = tpu.memref_squeeze %dma_start3A_187 : memref<1x32x512xf32, #tpu.memory_space<vmem>> -> memref<32x512xf32, #tpu.memory_space<vmem>>
    tpu.enqueue_dma source(%dma_start3A_188 : memref<32x512xf32, #tpu.memory_space<vmem>>) target(%dma_start3A_184 : memref<32x512xf32, #tpu.memory_space<hbm>>) target_semaphore(%arg15 : memref<!tpu.dma_semaphore, #tpu.memory_space<semaphore_mem>>)
    %dma_wait3A_189 = arith.constant 1 : i32
    %dma_wait3A_190 = arith.constant 0 : i32
    %dma_wait3A_191 = arith.constant 0 : i32
    %dma_wait3A_192 = tpu.memref_slice %arg6[%dma_wait3A_189, %dma_wait3A_190, %dma_wait3A_191] : memref<6x32x512xf32, #tpu.memory_space<vmem>> -> memref<1x32x512xf32, #tpu.memory_space<vmem>>
    %dma_wait3A_193 = tpu.memref_squeeze %dma_wait3A_192 : memref<1x32x512xf32, #tpu.memory_space<vmem>> -> memref<32x512xf32, #tpu.memory_space<vmem>>
    %dma_wait3A_194 = arith.constant 0 : i32
    %dma_wait3A_195 = tpu.memref_slice %arg4[%add3A_123, %dma_wait3A_194] : memref<16384x512xf32, #tpu.memory_space<hbm>> -> memref<32x512xf32, #tpu.memory_space<hbm>>
    %dma_wait3A_196 = arith.constant 0 : i32
    %dma_wait3A_197 = tpu.memref_slice %arg4[%add3A_123, %dma_wait3A_196] : memref<16384x512xf32, #tpu.memory_space<hbm>> -> memref<32x512xf32, #tpu.memory_space<hbm>>
    %dma_wait3A_198 = arith.constant 0 : i32
    %dma_wait3A_199 = arith.constant 0 : i32
    %dma_wait3A_200 = tpu.memref_slice %arg6[%dma_wait3A_189, %dma_wait3A_198, %dma_wait3A_199] : memref<6x32x512xf32, #tpu.memory_space<vmem>> -> memref<1x32x512xf32, #tpu.memory_space<vmem>>
    %dma_wait3A_201 = tpu.memref_squeeze %dma_wait3A_200 : memref<1x32x512xf32, #tpu.memory_space<vmem>> -> memref<32x512xf32, #tpu.memory_space<vmem>>
    tpu.wait_dma2 semaphore(%arg14 : memref<!tpu.dma_semaphore, #tpu.memory_space<semaphore_mem>>) src(%dma_wait3A_201 : memref<32x512xf32, #tpu.memory_space<vmem>>) dst(%dma_wait3A_197 : memref<32x512xf32, #tpu.memory_space<hbm>>)
    %dma_start3A_202 = arith.constant 7 : i32
    %dma_start3A_203 = arith.constant 1 : i32
    %dma_start3A_204 = arith.constant 0 : i32
    %dma_start3A_205 = arith.constant 0 : i32
    %dma_start3A_206 = tpu.memref_slice %arg6[%dma_start3A_203, %dma_start3A_204, %dma_start3A_205] : memref<6x32x512xf32, #tpu.memory_space<vmem>> -> memref<1x32x512xf32, #tpu.memory_space<vmem>>
    %dma_start3A_207 = tpu.memref_squeeze %dma_start3A_206 : memref<1x32x512xf32, #tpu.memory_space<vmem>> -> memref<32x512xf32, #tpu.memory_space<vmem>>
    %dma_start3A_208 = arith.constant 0 : i32
    %dma_start3A_209 = tpu.memref_slice %arg5[%dma_start3A_202, %dma_start3A_208] : memref<16x32xi32, #tpu.memory_space<vmem>> -> memref<1x32xi32, #tpu.memory_space<vmem>>
    %dma_start3A_210 = tpu.memref_squeeze %dma_start3A_209 : memref<1x32xi32, #tpu.memory_space<vmem>> -> memref<32xi32, #tpu.memory_space<vmem>>
    %dma_start3A_211 = arith.constant 0 : i32
    %dma_start3A_212 = arith.constant 0 : i32
    %dma_start3A_213 = tpu.memref_slice %arg3[%dma_start3A_211, %dma_start3A_212] : memref<100000x512xf32, #tpu.memory_space<hbm>> -> memref<100000x512xf32, #tpu.memory_space<hbm>>
    tpu.enqueue_indirect_dma source(%dma_start3A_213 : memref<100000x512xf32, #tpu.memory_space<hbm>>) target(%dma_start3A_207 : memref<32x512xf32, #tpu.memory_space<vmem>>) offsets(%dma_start3A_210 : memref<32xi32, #tpu.memory_space<vmem>>) semaphore(%arg8 : memref<!tpu.dma_semaphore, #tpu.memory_space<semaphore_mem>>)
    %dma_wait3A_214 = arith.constant 3 : i32
    %dma_wait3A_215 = arith.constant 3 : i32
    %dma_wait3A_216 = arith.constant 0 : i32
    %dma_wait3A_217 = arith.constant 0 : i32
    %dma_wait3A_218 = tpu.memref_slice %arg6[%dma_wait3A_215, %dma_wait3A_216, %dma_wait3A_217] : memref<6x32x512xf32, #tpu.memory_space<vmem>> -> memref<1x32x512xf32, #tpu.memory_space<vmem>>
    %dma_wait3A_219 = tpu.memref_squeeze %dma_wait3A_218 : memref<1x32x512xf32, #tpu.memory_space<vmem>> -> memref<32x512xf32, #tpu.memory_space<vmem>>
    %dma_wait3A_220 = arith.constant 0 : i32
    %dma_wait3A_221 = tpu.memref_slice %arg5[%dma_wait3A_214, %dma_wait3A_220] : memref<16x32xi32, #tpu.memory_space<vmem>> -> memref<1x32xi32, #tpu.memory_space<vmem>>
    %dma_wait3A_222 = tpu.memref_squeeze %dma_wait3A_221 : memref<1x32xi32, #tpu.memory_space<vmem>> -> memref<32xi32, #tpu.memory_space<vmem>>
    %dma_wait3A_223 = arith.constant 0 : i32
    %dma_wait3A_224 = arith.constant 0 : i32
    %dma_wait3A_225 = tpu.memref_slice %arg3[%dma_wait3A_223, %dma_wait3A_224] : memref<100000x512xf32, #tpu.memory_space<hbm>> -> memref<100000x512xf32, #tpu.memory_space<hbm>>
    tpu.wait_indirect_dma semaphore(%arg10 : memref<!tpu.dma_semaphore, #tpu.memory_space<semaphore_mem>>) src(%dma_wait3A_225 : memref<100000x512xf32, #tpu.memory_space<hbm>>) dst(%dma_wait3A_219 : memref<32x512xf32, #tpu.memory_space<vmem>>)
    %add3A_226 = arith.constant 96 : i32
    %add3A_227 = arith.addi %mul3A_2, %add3A_226 : i32
    %dma_start3A_228 = arith.constant 3 : i32
    %dma_start3A_229 = arith.constant 0 : i32
    %dma_start3A_230 = arith.constant 0 : i32
    %dma_start3A_231 = tpu.memref_slice %arg6[%dma_start3A_228, %dma_start3A_229, %dma_start3A_230] : memref<6x32x512xf32, #tpu.memory_space<vmem>> -> memref<1x32x512xf32, #tpu.memory_space<vmem>>
    %dma_start3A_232 = tpu.memref_squeeze %dma_start3A_231 : memref<1x32x512xf32, #tpu.memory_space<vmem>> -> memref<32x512xf32, #tpu.memory_space<vmem>>
    %dma_start3A_233 = arith.constant 0 : i32
    %dma_start3A_234 = tpu.memref_slice %arg4[%add3A_227, %dma_start3A_233] : memref<16384x512xf32, #tpu.memory_space<hbm>> -> memref<32x512xf32, #tpu.memory_space<hbm>>
    %dma_start3A_235 = arith.constant 0 : i32
    %dma_start3A_236 = tpu.memref_slice %arg4[%add3A_227, %dma_start3A_235] : memref<16384x512xf32, #tpu.memory_space<hbm>> -> memref<32x512xf32, #tpu.memory_space<hbm>>
    %dma_start3A_237 = arith.constant 0 : i32
    %dma_start3A_238 = arith.constant 0 : i32
    %dma_start3A_239 = tpu.memref_slice %arg6[%dma_start3A_228, %dma_start3A_237, %dma_start3A_238] : memref<6x32x512xf32, #tpu.memory_space<vmem>> -> memref<1x32x512xf32, #tpu.memory_space<vmem>>
    %dma_start3A_240 = tpu.memref_squeeze %dma_start3A_239 : memref<1x32x512xf32, #tpu.memory_space<vmem>> -> memref<32x512xf32, #tpu.memory_space<vmem>>
    tpu.enqueue_dma source(%dma_start3A_240 : memref<32x512xf32, #tpu.memory_space<vmem>>) target(%dma_start3A_236 : memref<32x512xf32, #tpu.memory_space<hbm>>) target_semaphore(%arg16 : memref<!tpu.dma_semaphore, #tpu.memory_space<semaphore_mem>>)
    %dma_wait3A_241 = arith.constant 2 : i32
    %dma_wait3A_242 = arith.constant 0 : i32
    %dma_wait3A_243 = arith.constant 0 : i32
    %dma_wait3A_244 = tpu.memref_slice %arg6[%dma_wait3A_241, %dma_wait3A_242, %dma_wait3A_243] : memref<6x32x512xf32, #tpu.memory_space<vmem>> -> memref<1x32x512xf32, #tpu.memory_space<vmem>>
    %dma_wait3A_245 = tpu.memref_squeeze %dma_wait3A_244 : memref<1x32x512xf32, #tpu.memory_space<vmem>> -> memref<32x512xf32, #tpu.memory_space<vmem>>
    %dma_wait3A_246 = arith.constant 0 : i32
    %dma_wait3A_247 = tpu.memref_slice %arg4[%add3A_175, %dma_wait3A_246] : memref<16384x512xf32, #tpu.memory_space<hbm>> -> memref<32x512xf32, #tpu.memory_space<hbm>>
    %dma_wait3A_248 = arith.constant 0 : i32
    %dma_wait3A_249 = tpu.memref_slice %arg4[%add3A_175, %dma_wait3A_248] : memref<16384x512xf32, #tpu.memory_space<hbm>> -> memref<32x512xf32, #tpu.memory_space<hbm>>
    %dma_wait3A_250 = arith.constant 0 : i32
    %dma_wait3A_251 = arith.constant 0 : i32
    %dma_wait3A_252 = tpu.memref_slice %arg6[%dma_wait3A_241, %dma_wait3A_250, %dma_wait3A_251] : memref<6x32x512xf32, #tpu.memory_space<vmem>> -> memref<1x32x512xf32, #tpu.memory_space<vmem>>
    %dma_wait3A_253 = tpu.memref_squeeze %dma_wait3A_252 : memref<1x32x512xf32, #tpu.memory_space<vmem>> -> memref<32x512xf32, #tpu.memory_space<vmem>>
    tpu.wait_dma2 semaphore(%arg15 : memref<!tpu.dma_semaphore, #tpu.memory_space<semaphore_mem>>) src(%dma_wait3A_253 : memref<32x512xf32, #tpu.memory_space<vmem>>) dst(%dma_wait3A_249 : memref<32x512xf32, #tpu.memory_space<hbm>>)
    %dma_start3A_254 = arith.constant 8 : i32
    %dma_start3A_255 = arith.constant 2 : i32
    %dma_start3A_256 = arith.constant 0 : i32
    %dma_start3A_257 = arith.constant 0 : i32
    %dma_start3A_258 = tpu.memref_slice %arg6[%dma_start3A_255, %dma_start3A_256, %dma_start3A_257] : memref<6x32x512xf32, #tpu.memory_space<vmem>> -> memref<1x32x512xf32, #tpu.memory_space<vmem>>
    %dma_start3A_259 = tpu.memref_squeeze %dma_start3A_258 : memref<1x32x512xf32, #tpu.memory_space<vmem>> -> memref<32x512xf32, #tpu.memory_space<vmem>>
    %dma_start3A_260 = arith.constant 0 : i32
    %dma_start3A_261 = tpu.memref_slice %arg5[%dma_start3A_254, %dma_start3A_260] : memref<16x32xi32, #tpu.memory_space<vmem>> -> memref<1x32xi32, #tpu.memory_space<vmem>>
    %dma_start3A_262 = tpu.memref_squeeze %dma_start3A_261 : memref<1x32xi32, #tpu.memory_space<vmem>> -> memref<32xi32, #tpu.memory_space<vmem>>
    %dma_start3A_263 = arith.constant 0 : i32
    %dma_start3A_264 = arith.constant 0 : i32
    %dma_start3A_265 = tpu.memref_slice %arg3[%dma_start3A_263, %dma_start3A_264] : memref<100000x512xf32, #tpu.memory_space<hbm>> -> memref<100000x512xf32, #tpu.memory_space<hbm>>
    tpu.enqueue_indirect_dma source(%dma_start3A_265 : memref<100000x512xf32, #tpu.memory_space<hbm>>) target(%dma_start3A_259 : memref<32x512xf32, #tpu.memory_space<vmem>>) offsets(%dma_start3A_262 : memref<32xi32, #tpu.memory_space<vmem>>) semaphore(%arg9 : memref<!tpu.dma_semaphore, #tpu.memory_space<semaphore_mem>>)
    %dma_wait3A_266 = arith.constant 4 : i32
    %dma_wait3A_267 = arith.constant 4 : i32
    %dma_wait3A_268 = arith.constant 0 : i32
    %dma_wait3A_269 = arith.constant 0 : i32
    %dma_wait3A_270 = tpu.memref_slice %arg6[%dma_wait3A_267, %dma_wait3A_268, %dma_wait3A_269] : memref<6x32x512xf32, #tpu.memory_space<vmem>> -> memref<1x32x512xf32, #tpu.memory_space<vmem>>
    %dma_wait3A_271 = tpu.memref_squeeze %dma_wait3A_270 : memref<1x32x512xf32, #tpu.memory_space<vmem>> -> memref<32x512xf32, #tpu.memory_space<vmem>>
    %dma_wait3A_272 = arith.constant 0 : i32
    %dma_wait3A_273 = tpu.memref_slice %arg5[%dma_wait3A_266, %dma_wait3A_272] : memref<16x32xi32, #tpu.memory_space<vmem>> -> memref<1x32xi32, #tpu.memory_space<vmem>>
    %dma_wait3A_274 = tpu.memref_squeeze %dma_wait3A_273 : memref<1x32xi32, #tpu.memory_space<vmem>> -> memref<32xi32, #tpu.memory_space<vmem>>
    %dma_wait3A_275 = arith.constant 0 : i32
    %dma_wait3A_276 = arith.constant 0 : i32
    %dma_wait3A_277 = tpu.memref_slice %arg3[%dma_wait3A_275, %dma_wait3A_276] : memref<100000x512xf32, #tpu.memory_space<hbm>> -> memref<100000x512xf32, #tpu.memory_space<hbm>>
    tpu.wait_indirect_dma semaphore(%arg11 : memref<!tpu.dma_semaphore, #tpu.memory_space<semaphore_mem>>) src(%dma_wait3A_277 : memref<100000x512xf32, #tpu.memory_space<hbm>>) dst(%dma_wait3A_271 : memref<32x512xf32, #tpu.memory_space<vmem>>)
    %add3A_278 = arith.constant 128 : i32
    %add3A_279 = arith.addi %mul3A_2, %add3A_278 : i32
    %dma_start3A_280 = arith.constant 4 : i32
    %dma_start3A_281 = arith.constant 0 : i32
    %dma_start3A_282 = arith.constant 0 : i32
    %dma_start3A_283 = tpu.memref_slice %arg6[%dma_start3A_280, %dma_start3A_281, %dma_start3A_282] : memref<6x32x512xf32, #tpu.memory_space<vmem>> -> memref<1x32x512xf32, #tpu.memory_space<vmem>>
    %dma_start3A_284 = tpu.memref_squeeze %dma_start3A_283 : memref<1x32x512xf32, #tpu.memory_space<vmem>> -> memref<32x512xf32, #tpu.memory_space<vmem>>
    %dma_start3A_285 = arith.constant 0 : i32
    %dma_start3A_286 = tpu.memref_slice %arg4[%add3A_279, %dma_start3A_285] : memref<16384x512xf32, #tpu.memory_space<hbm>> -> memref<32x512xf32, #tpu.memory_space<hbm>>
    %dma_start3A_287 = arith.constant 0 : i32
    %dma_start3A_288 = tpu.memref_slice %arg4[%add3A_279, %dma_start3A_287] : memref<16384x512xf32, #tpu.memory_space<hbm>> -> memref<32x512xf32, #tpu.memory_space<hbm>>
    %dma_start3A_289 = arith.constant 0 : i32
    %dma_start3A_290 = arith.constant 0 : i32
    %dma_start3A_291 = tpu.memref_slice %arg6[%dma_start3A_280, %dma_start3A_289, %dma_start3A_290] : memref<6x32x512xf32, #tpu.memory_space<vmem>> -> memref<1x32x512xf32, #tpu.memory_space<vmem>>
    %dma_start3A_292 = tpu.memref_squeeze %dma_start3A_291 : memref<1x32x512xf32, #tpu.memory_space<vmem>> -> memref<32x512xf32, #tpu.memory_space<vmem>>
    tpu.enqueue_dma source(%dma_start3A_292 : memref<32x512xf32, #tpu.memory_space<vmem>>) target(%dma_start3A_288 : memref<32x512xf32, #tpu.memory_space<hbm>>) target_semaphore(%arg17 : memref<!tpu.dma_semaphore, #tpu.memory_space<semaphore_mem>>)
    %dma_wait3A_293 = arith.constant 3 : i32
    %dma_wait3A_294 = arith.constant 0 : i32
    %dma_wait3A_295 = arith.constant 0 : i32
    %dma_wait3A_296 = tpu.memref_slice %arg6[%dma_wait3A_293, %dma_wait3A_294, %dma_wait3A_295] : memref<6x32x512xf32, #tpu.memory_space<vmem>> -> memref<1x32x512xf32, #tpu.memory_space<vmem>>
    %dma_wait3A_297 = tpu.memref_squeeze %dma_wait3A_296 : memref<1x32x512xf32, #tpu.memory_space<vmem>> -> memref<32x512xf32, #tpu.memory_space<vmem>>
    %dma_wait3A_298 = arith.constant 0 : i32
    %dma_wait3A_299 = tpu.memref_slice %arg4[%add3A_227, %dma_wait3A_298] : memref<16384x512xf32, #tpu.memory_space<hbm>> -> memref<32x512xf32, #tpu.memory_space<hbm>>
    %dma_wait3A_300 = arith.constant 0 : i32
    %dma_wait3A_301 = tpu.memref_slice %arg4[%add3A_227, %dma_wait3A_300] : memref<16384x512xf32, #tpu.memory_space<hbm>> -> memref<32x512xf32, #tpu.memory_space<hbm>>
    %dma_wait3A_302 = arith.constant 0 : i32
    %dma_wait3A_303 = arith.constant 0 : i32
    %dma_wait3A_304 = tpu.memref_slice %arg6[%dma_wait3A_293, %dma_wait3A_302, %dma_wait3A_303] : memref<6x32x512xf32, #tpu.memory_space<vmem>> -> memref<1x32x512xf32, #tpu.memory_space<vmem>>
    %dma_wait3A_305 = tpu.memref_squeeze %dma_wait3A_304 : memref<1x32x512xf32, #tpu.memory_space<vmem>> -> memref<32x512xf32, #tpu.memory_space<vmem>>
    tpu.wait_dma2 semaphore(%arg16 : memref<!tpu.dma_semaphore, #tpu.memory_space<semaphore_mem>>) src(%dma_wait3A_305 : memref<32x512xf32, #tpu.memory_space<vmem>>) dst(%dma_wait3A_301 : memref<32x512xf32, #tpu.memory_space<hbm>>)
    %dma_start3A_306 = arith.constant 9 : i32
    %dma_start3A_307 = arith.constant 3 : i32
    %dma_start3A_308 = arith.constant 0 : i32
    %dma_start3A_309 = arith.constant 0 : i32
    %dma_start3A_310 = tpu.memref_slice %arg6[%dma_start3A_307, %dma_start3A_308, %dma_start3A_309] : memref<6x32x512xf32, #tpu.memory_space<vmem>> -> memref<1x32x512xf32, #tpu.memory_space<vmem>>
    %dma_start3A_311 = tpu.memref_squeeze %dma_start3A_310 : memref<1x32x512xf32, #tpu.memory_space<vmem>> -> memref<32x512xf32, #tpu.memory_space<vmem>>
    %dma_start3A_312 = arith.constant 0 : i32
    %dma_start3A_313 = tpu.memref_slice %arg5[%dma_start3A_306, %dma_start3A_312] : memref<16x32xi32, #tpu.memory_space<vmem>> -> memref<1x32xi32, #tpu.memory_space<vmem>>
    %dma_start3A_314 = tpu.memref_squeeze %dma_start3A_313 : memref<1x32xi32, #tpu.memory_space<vmem>> -> memref<32xi32, #tpu.memory_space<vmem>>
    %dma_start3A_315 = arith.constant 0 : i32
    %dma_start3A_316 = arith.constant 0 : i32
    %dma_start3A_317 = tpu.memref_slice %arg3[%dma_start3A_315, %dma_start3A_316] : memref<100000x512xf32, #tpu.memory_space<hbm>> -> memref<100000x512xf32, #tpu.memory_space<hbm>>
    tpu.enqueue_indirect_dma source(%dma_start3A_317 : memref<100000x512xf32, #tpu.memory_space<hbm>>) target(%dma_start3A_311 : memref<32x512xf32, #tpu.memory_space<vmem>>) offsets(%dma_start3A_314 : memref<32xi32, #tpu.memory_space<vmem>>) semaphore(%arg10 : memref<!tpu.dma_semaphore, #tpu.memory_space<semaphore_mem>>)
    %dma_wait3A_318 = arith.constant 5 : i32
    %dma_wait3A_319 = arith.constant 5 : i32
    %dma_wait3A_320 = arith.constant 0 : i32
    %dma_wait3A_321 = arith.constant 0 : i32
    %dma_wait3A_322 = tpu.memref_slice %arg6[%dma_wait3A_319, %dma_wait3A_320, %dma_wait3A_321] : memref<6x32x512xf32, #tpu.memory_space<vmem>> -> memref<1x32x512xf32, #tpu.memory_space<vmem>>
    %dma_wait3A_323 = tpu.memref_squeeze %dma_wait3A_322 : memref<1x32x512xf32, #tpu.memory_space<vmem>> -> memref<32x512xf32, #tpu.memory_space<vmem>>
    %dma_wait3A_324 = arith.constant 0 : i32
    %dma_wait3A_325 = tpu.memref_slice %arg5[%dma_wait3A_318, %dma_wait3A_324] : memref<16x32xi32, #tpu.memory_space<vmem>> -> memref<1x32xi32, #tpu.memory_space<vmem>>
    %dma_wait3A_326 = tpu.memref_squeeze %dma_wait3A_325 : memref<1x32xi32, #tpu.memory_space<vmem>> -> memref<32xi32, #tpu.memory_space<vmem>>
    %dma_wait3A_327 = arith.constant 0 : i32
    %dma_wait3A_328 = arith.constant 0 : i32
    %dma_wait3A_329 = tpu.memref_slice %arg3[%dma_wait3A_327, %dma_wait3A_328] : memref<100000x512xf32, #tpu.memory_space<hbm>> -> memref<100000x512xf32, #tpu.memory_space<hbm>>
    tpu.wait_indirect_dma semaphore(%arg12 : memref<!tpu.dma_semaphore, #tpu.memory_space<semaphore_mem>>) src(%dma_wait3A_329 : memref<100000x512xf32, #tpu.memory_space<hbm>>) dst(%dma_wait3A_323 : memref<32x512xf32, #tpu.memory_space<vmem>>)
    %add3A_330 = arith.constant 160 : i32
    %add3A_331 = arith.addi %mul3A_2, %add3A_330 : i32
    %dma_start3A_332 = arith.constant 5 : i32
    %dma_start3A_333 = arith.constant 0 : i32
    %dma_start3A_334 = arith.constant 0 : i32
    %dma_start3A_335 = tpu.memref_slice %arg6[%dma_start3A_332, %dma_start3A_333, %dma_start3A_334] : memref<6x32x512xf32, #tpu.memory_space<vmem>> -> memref<1x32x512xf32, #tpu.memory_space<vmem>>
    %dma_start3A_336 = tpu.memref_squeeze %dma_start3A_335 : memref<1x32x512xf32, #tpu.memory_space<vmem>> -> memref<32x512xf32, #tpu.memory_space<vmem>>
    %dma_start3A_337 = arith.constant 0 : i32
    %dma_start3A_338 = tpu.memref_slice %arg4[%add3A_331, %dma_start3A_337] : memref<16384x512xf32, #tpu.memory_space<hbm>> -> memref<32x512xf32, #tpu.memory_space<hbm>>
    %dma_start3A_339 = arith.constant 0 : i32
    %dma_start3A_340 = tpu.memref_slice %arg4[%add3A_331, %dma_start3A_339] : memref<16384x512xf32, #tpu.memory_space<hbm>> -> memref<32x512xf32, #tpu.memory_space<hbm>>
    %dma_start3A_341 = arith.constant 0 : i32
    %dma_start3A_342 = arith.constant 0 : i32
    %dma_start3A_343 = tpu.memref_slice %arg6[%dma_start3A_332, %dma_start3A_341, %dma_start3A_342] : memref<6x32x512xf32, #tpu.memory_space<vmem>> -> memref<1x32x512xf32, #tpu.memory_space<vmem>>
    %dma_start3A_344 = tpu.memref_squeeze %dma_start3A_343 : memref<1x32x512xf32, #tpu.memory_space<vmem>> -> memref<32x512xf32, #tpu.memory_space<vmem>>
    tpu.enqueue_dma source(%dma_start3A_344 : memref<32x512xf32, #tpu.memory_space<vmem>>) target(%dma_start3A_340 : memref<32x512xf32, #tpu.memory_space<hbm>>) target_semaphore(%arg18 : memref<!tpu.dma_semaphore, #tpu.memory_space<semaphore_mem>>)
    %dma_wait3A_345 = arith.constant 4 : i32
    %dma_wait3A_346 = arith.constant 0 : i32
    %dma_wait3A_347 = arith.constant 0 : i32
    %dma_wait3A_348 = tpu.memref_slice %arg6[%dma_wait3A_345, %dma_wait3A_346, %dma_wait3A_347] : memref<6x32x512xf32, #tpu.memory_space<vmem>> -> memref<1x32x512xf32, #tpu.memory_space<vmem>>
    %dma_wait3A_349 = tpu.memref_squeeze %dma_wait3A_348 : memref<1x32x512xf32, #tpu.memory_space<vmem>> -> memref<32x512xf32, #tpu.memory_space<vmem>>
    %dma_wait3A_350 = arith.constant 0 : i32
    %dma_wait3A_351 = tpu.memref_slice %arg4[%add3A_279, %dma_wait3A_350] : memref<16384x512xf32, #tpu.memory_space<hbm>> -> memref<32x512xf32, #tpu.memory_space<hbm>>
    %dma_wait3A_352 = arith.constant 0 : i32
    %dma_wait3A_353 = tpu.memref_slice %arg4[%add3A_279, %dma_wait3A_352] : memref<16384x512xf32, #tpu.memory_space<hbm>> -> memref<32x512xf32, #tpu.memory_space<hbm>>
    %dma_wait3A_354 = arith.constant 0 : i32
    %dma_wait3A_355 = arith.constant 0 : i32
    %dma_wait3A_356 = tpu.memref_slice %arg6[%dma_wait3A_345, %dma_wait3A_354, %dma_wait3A_355] : memref<6x32x512xf32, #tpu.memory_space<vmem>> -> memref<1x32x512xf32, #tpu.memory_space<vmem>>
    %dma_wait3A_357 = tpu.memref_squeeze %dma_wait3A_356 : memref<1x32x512xf32, #tpu.memory_space<vmem>> -> memref<32x512xf32, #tpu.memory_space<vmem>>
    tpu.wait_dma2 semaphore(%arg17 : memref<!tpu.dma_semaphore, #tpu.memory_space<semaphore_mem>>) src(%dma_wait3A_357 : memref<32x512xf32, #tpu.memory_space<vmem>>) dst(%dma_wait3A_353 : memref<32x512xf32, #tpu.memory_space<hbm>>)
    %dma_start3A_358 = arith.constant 10 : i32
    %dma_start3A_359 = arith.constant 4 : i32
    %dma_start3A_360 = arith.constant 0 : i32
    %dma_start3A_361 = arith.constant 0 : i32
    %dma_start3A_362 = tpu.memref_slice %arg6[%dma_start3A_359, %dma_start3A_360, %dma_start3A_361] : memref<6x32x512xf32, #tpu.memory_space<vmem>> -> memref<1x32x512xf32, #tpu.memory_space<vmem>>
    %dma_start3A_363 = tpu.memref_squeeze %dma_start3A_362 : memref<1x32x512xf32, #tpu.memory_space<vmem>> -> memref<32x512xf32, #tpu.memory_space<vmem>>
    %dma_start3A_364 = arith.constant 0 : i32
    %dma_start3A_365 = tpu.memref_slice %arg5[%dma_start3A_358, %dma_start3A_364] : memref<16x32xi32, #tpu.memory_space<vmem>> -> memref<1x32xi32, #tpu.memory_space<vmem>>
    %dma_start3A_366 = tpu.memref_squeeze %dma_start3A_365 : memref<1x32xi32, #tpu.memory_space<vmem>> -> memref<32xi32, #tpu.memory_space<vmem>>
    %dma_start3A_367 = arith.constant 0 : i32
    %dma_start3A_368 = arith.constant 0 : i32
    %dma_start3A_369 = tpu.memref_slice %arg3[%dma_start3A_367, %dma_start3A_368] : memref<100000x512xf32, #tpu.memory_space<hbm>> -> memref<100000x512xf32, #tpu.memory_space<hbm>>
    tpu.enqueue_indirect_dma source(%dma_start3A_369 : memref<100000x512xf32, #tpu.memory_space<hbm>>) target(%dma_start3A_363 : memref<32x512xf32, #tpu.memory_space<vmem>>) offsets(%dma_start3A_366 : memref<32xi32, #tpu.memory_space<vmem>>) semaphore(%arg11 : memref<!tpu.dma_semaphore, #tpu.memory_space<semaphore_mem>>)
    %dma_wait3A_370 = arith.constant 6 : i32
    %dma_wait3A_371 = arith.constant 0 : i32
    %dma_wait3A_372 = arith.constant 0 : i32
    %dma_wait3A_373 = arith.constant 0 : i32
    %dma_wait3A_374 = tpu.memref_slice %arg6[%dma_wait3A_371, %dma_wait3A_372, %dma_wait3A_373] : memref<6x32x512xf32, #tpu.memory_space<vmem>> -> memref<1x32x512xf32, #tpu.memory_space<vmem>>
    %dma_wait3A_375 = tpu.memref_squeeze %dma_wait3A_374 : memref<1x32x512xf32, #tpu.memory_space<vmem>> -> memref<32x512xf32, #tpu.memory_space<vmem>>
    %dma_wait3A_376 = arith.constant 0 : i32
    %dma_wait3A_377 = tpu.memref_slice %arg5[%dma_wait3A_370, %dma_wait3A_376] : memref<16x32xi32, #tpu.memory_space<vmem>> -> memref<1x32xi32, #tpu.memory_space<vmem>>
    %dma_wait3A_378 = tpu.memref_squeeze %dma_wait3A_377 : memref<1x32xi32, #tpu.memory_space<vmem>> -> memref<32xi32, #tpu.memory_space<vmem>>
    %dma_wait3A_379 = arith.constant 0 : i32
    %dma_wait3A_380 = arith.constant 0 : i32
    %dma_wait3A_381 = tpu.memref_slice %arg3[%dma_wait3A_379, %dma_wait3A_380] : memref<100000x512xf32, #tpu.memory_space<hbm>> -> memref<100000x512xf32, #tpu.memory_space<hbm>>
    tpu.wait_indirect_dma semaphore(%arg7 : memref<!tpu.dma_semaphore, #tpu.memory_space<semaphore_mem>>) src(%dma_wait3A_381 : memref<100000x512xf32, #tpu.memory_space<hbm>>) dst(%dma_wait3A_375 : memref<32x512xf32, #tpu.memory_space<vmem>>)
    %add3A_382 = arith.constant 192 : i32
    %add3A_383 = arith.addi %mul3A_2, %add3A_382 : i32
    %dma_start3A_384 = arith.constant 0 : i32
    %dma_start3A_385 = arith.constant 0 : i32
    %dma_start3A_386 = arith.constant 0 : i32
    %dma_start3A_387 = tpu.memref_slice %arg6[%dma_start3A_384, %dma_start3A_385, %dma_start3A_386] : memref<6x32x512xf32, #tpu.memory_space<vmem>> -> memref<1x32x512xf32, #tpu.memory_space<vmem>>
    %dma_start3A_388 = tpu.memref_squeeze %dma_start3A_387 : memref<1x32x512xf32, #tpu.memory_space<vmem>> -> memref<32x512xf32, #tpu.memory_space<vmem>>
    %dma_start3A_389 = arith.constant 0 : i32
    %dma_start3A_390 = tpu.memref_slice %arg4[%add3A_383, %dma_start3A_389] : memref<16384x512xf32, #tpu.memory_space<hbm>> -> memref<32x512xf32, #tpu.memory_space<hbm>>
    %dma_start3A_391 = arith.constant 0 : i32
    %dma_start3A_392 = tpu.memref_slice %arg4[%add3A_383, %dma_start3A_391] : memref<16384x512xf32, #tpu.memory_space<hbm>> -> memref<32x512xf32, #tpu.memory_space<hbm>>
    %dma_start3A_393 = arith.constant 0 : i32
    %dma_start3A_394 = arith.constant 0 : i32
    %dma_start3A_395 = tpu.memref_slice %arg6[%dma_start3A_384, %dma_start3A_393, %dma_start3A_394] : memref<6x32x512xf32, #tpu.memory_space<vmem>> -> memref<1x32x512xf32, #tpu.memory_space<vmem>>
    %dma_start3A_396 = tpu.memref_squeeze %dma_start3A_395 : memref<1x32x512xf32, #tpu.memory_space<vmem>> -> memref<32x512xf32, #tpu.memory_space<vmem>>
    tpu.enqueue_dma source(%dma_start3A_396 : memref<32x512xf32, #tpu.memory_space<vmem>>) target(%dma_start3A_392 : memref<32x512xf32, #tpu.memory_space<hbm>>) target_semaphore(%arg13 : memref<!tpu.dma_semaphore, #tpu.memory_space<semaphore_mem>>)
    %dma_wait3A_397 = arith.constant 5 : i32
    %dma_wait3A_398 = arith.constant 0 : i32
    %dma_wait3A_399 = arith.constant 0 : i32
    %dma_wait3A_400 = tpu.memref_slice %arg6[%dma_wait3A_397, %dma_wait3A_398, %dma_wait3A_399] : memref<6x32x512xf32, #tpu.memory_space<vmem>> -> memref<1x32x512xf32, #tpu.memory_space<vmem>>
    %dma_wait3A_401 = tpu.memref_squeeze %dma_wait3A_400 : memref<1x32x512xf32, #tpu.memory_space<vmem>> -> memref<32x512xf32, #tpu.memory_space<vmem>>
    %dma_wait3A_402 = arith.constant 0 : i32
    %dma_wait3A_403 = tpu.memref_slice %arg4[%add3A_331, %dma_wait3A_402] : memref<16384x512xf32, #tpu.memory_space<hbm>> -> memref<32x512xf32, #tpu.memory_space<hbm>>
    %dma_wait3A_404 = arith.constant 0 : i32
    %dma_wait3A_405 = tpu.memref_slice %arg4[%add3A_331, %dma_wait3A_404] : memref<16384x512xf32, #tpu.memory_space<hbm>> -> memref<32x512xf32, #tpu.memory_space<hbm>>
    %dma_wait3A_406 = arith.constant 0 : i32
    %dma_wait3A_407 = arith.constant 0 : i32
    %dma_wait3A_408 = tpu.memref_slice %arg6[%dma_wait3A_397, %dma_wait3A_406, %dma_wait3A_407] : memref<6x32x512xf32, #tpu.memory_space<vmem>> -> memref<1x32x512xf32, #tpu.memory_space<vmem>>
    %dma_wait3A_409 = tpu.memref_squeeze %dma_wait3A_408 : memref<1x32x512xf32, #tpu.memory_space<vmem>> -> memref<32x512xf32, #tpu.memory_space<vmem>>
    tpu.wait_dma2 semaphore(%arg18 : memref<!tpu.dma_semaphore, #tpu.memory_space<semaphore_mem>>) src(%dma_wait3A_409 : memref<32x512xf32, #tpu.memory_space<vmem>>) dst(%dma_wait3A_405 : memref<32x512xf32, #tpu.memory_space<hbm>>)
    %dma_start3A_410 = arith.constant 11 : i32
    %dma_start3A_411 = arith.constant 5 : i32
    %dma_start3A_412 = arith.constant 0 : i32
    %dma_start3A_413 = arith.constant 0 : i32
    %dma_start3A_414 = tpu.memref_slice %arg6[%dma_start3A_411, %dma_start3A_412, %dma_start3A_413] : memref<6x32x512xf32, #tpu.memory_space<vmem>> -> memref<1x32x512xf32, #tpu.memory_space<vmem>>
    %dma_start3A_415 = tpu.memref_squeeze %dma_start3A_414 : memref<1x32x512xf32, #tpu.memory_space<vmem>> -> memref<32x512xf32, #tpu.memory_space<vmem>>
    %dma_start3A_416 = arith.constant 0 : i32
    %dma_start3A_417 = tpu.memref_slice %arg5[%dma_start3A_410, %dma_start3A_416] : memref<16x32xi32, #tpu.memory_space<vmem>> -> memref<1x32xi32, #tpu.memory_space<vmem>>
    %dma_start3A_418 = tpu.memref_squeeze %dma_start3A_417 : memref<1x32xi32, #tpu.memory_space<vmem>> -> memref<32xi32, #tpu.memory_space<vmem>>
    %dma_start3A_419 = arith.constant 0 : i32
    %dma_start3A_420 = arith.constant 0 : i32
    %dma_start3A_421 = tpu.memref_slice %arg3[%dma_start3A_419, %dma_start3A_420] : memref<100000x512xf32, #tpu.memory_space<hbm>> -> memref<100000x512xf32, #tpu.memory_space<hbm>>
    tpu.enqueue_indirect_dma source(%dma_start3A_421 : memref<100000x512xf32, #tpu.memory_space<hbm>>) target(%dma_start3A_415 : memref<32x512xf32, #tpu.memory_space<vmem>>) offsets(%dma_start3A_418 : memref<32xi32, #tpu.memory_space<vmem>>) semaphore(%arg12 : memref<!tpu.dma_semaphore, #tpu.memory_space<semaphore_mem>>)
    %dma_wait3A_422 = arith.constant 7 : i32
    %dma_wait3A_423 = arith.constant 1 : i32
    %dma_wait3A_424 = arith.constant 0 : i32
    %dma_wait3A_425 = arith.constant 0 : i32
    %dma_wait3A_426 = tpu.memref_slice %arg6[%dma_wait3A_423, %dma_wait3A_424, %dma_wait3A_425] : memref<6x32x512xf32, #tpu.memory_space<vmem>> -> memref<1x32x512xf32, #tpu.memory_space<vmem>>
    %dma_wait3A_427 = tpu.memref_squeeze %dma_wait3A_426 : memref<1x32x512xf32, #tpu.memory_space<vmem>> -> memref<32x512xf32, #tpu.memory_space<vmem>>
    %dma_wait3A_428 = arith.constant 0 : i32
    %dma_wait3A_429 = tpu.memref_slice %arg5[%dma_wait3A_422, %dma_wait3A_428] : memref<16x32xi32, #tpu.memory_space<vmem>> -> memref<1x32xi32, #tpu.memory_space<vmem>>
    %dma_wait3A_430 = tpu.memref_squeeze %dma_wait3A_429 : memref<1x32xi32, #tpu.memory_space<vmem>> -> memref<32xi32, #tpu.memory_space<vmem>>
    %dma_wait3A_431 = arith.constant 0 : i32
    %dma_wait3A_432 = arith.constant 0 : i32
    %dma_wait3A_433 = tpu.memref_slice %arg3[%dma_wait3A_431, %dma_wait3A_432] : memref<100000x512xf32, #tpu.memory_space<hbm>> -> memref<100000x512xf32, #tpu.memory_space<hbm>>
    tpu.wait_indirect_dma semaphore(%arg8 : memref<!tpu.dma_semaphore, #tpu.memory_space<semaphore_mem>>) src(%dma_wait3A_433 : memref<100000x512xf32, #tpu.memory_space<hbm>>) dst(%dma_wait3A_427 : memref<32x512xf32, #tpu.memory_space<vmem>>)
    %add3A_434 = arith.constant 224 : i32
    %add3A_435 = arith.addi %mul3A_2, %add3A_434 : i32
    %dma_start3A_436 = arith.constant 1 : i32
    %dma_start3A_437 = arith.constant 0 : i32
    %dma_start3A_438 = arith.constant 0 : i32
    %dma_start3A_439 = tpu.memref_slice %arg6[%dma_start3A_436, %dma_start3A_437, %dma_start3A_438] : memref<6x32x512xf32, #tpu.memory_space<vmem>> -> memref<1x32x512xf32, #tpu.memory_space<vmem>>
    %dma_start3A_440 = tpu.memref_squeeze %dma_start3A_439 : memref<1x32x512xf32, #tpu.memory_space<vmem>> -> memref<32x512xf32, #tpu.memory_space<vmem>>
    %dma_start3A_441 = arith.constant 0 : i32
    %dma_start3A_442 = tpu.memref_slice %arg4[%add3A_435, %dma_start3A_441] : memref<16384x512xf32, #tpu.memory_space<hbm>> -> memref<32x512xf32, #tpu.memory_space<hbm>>
    %dma_start3A_443 = arith.constant 0 : i32
    %dma_start3A_444 = tpu.memref_slice %arg4[%add3A_435, %dma_start3A_443] : memref<16384x512xf32, #tpu.memory_space<hbm>> -> memref<32x512xf32, #tpu.memory_space<hbm>>
    %dma_start3A_445 = arith.constant 0 : i32
    %dma_start3A_446 = arith.constant 0 : i32
    %dma_start3A_447 = tpu.memref_slice %arg6[%dma_start3A_436, %dma_start3A_445, %dma_start3A_446] : memref<6x32x512xf32, #tpu.memory_space<vmem>> -> memref<1x32x512xf32, #tpu.memory_space<vmem>>
    %dma_start3A_448 = tpu.memref_squeeze %dma_start3A_447 : memref<1x32x512xf32, #tpu.memory_space<vmem>> -> memref<32x512xf32, #tpu.memory_space<vmem>>
    tpu.enqueue_dma source(%dma_start3A_448 : memref<32x512xf32, #tpu.memory_space<vmem>>) target(%dma_start3A_444 : memref<32x512xf32, #tpu.memory_space<hbm>>) target_semaphore(%arg14 : memref<!tpu.dma_semaphore, #tpu.memory_space<semaphore_mem>>)
    %dma_wait3A_449 = arith.constant 0 : i32
    %dma_wait3A_450 = arith.constant 0 : i32
    %dma_wait3A_451 = arith.constant 0 : i32
    %dma_wait3A_452 = tpu.memref_slice %arg6[%dma_wait3A_449, %dma_wait3A_450, %dma_wait3A_451] : memref<6x32x512xf32, #tpu.memory_space<vmem>> -> memref<1x32x512xf32, #tpu.memory_space<vmem>>
    %dma_wait3A_453 = tpu.memref_squeeze %dma_wait3A_452 : memref<1x32x512xf32, #tpu.memory_space<vmem>> -> memref<32x512xf32, #tpu.memory_space<vmem>>
    %dma_wait3A_454 = arith.constant 0 : i32
    %dma_wait3A_455 = tpu.memref_slice %arg4[%add3A_383, %dma_wait3A_454] : memref<16384x512xf32, #tpu.memory_space<hbm>> -> memref<32x512xf32, #tpu.memory_space<hbm>>
    %dma_wait3A_456 = arith.constant 0 : i32
    %dma_wait3A_457 = tpu.memref_slice %arg4[%add3A_383, %dma_wait3A_456] : memref<16384x512xf32, #tpu.memory_space<hbm>> -> memref<32x512xf32, #tpu.memory_space<hbm>>
    %dma_wait3A_458 = arith.constant 0 : i32
    %dma_wait3A_459 = arith.constant 0 : i32
    %dma_wait3A_460 = tpu.memref_slice %arg6[%dma_wait3A_449, %dma_wait3A_458, %dma_wait3A_459] : memref<6x32x512xf32, #tpu.memory_space<vmem>> -> memref<1x32x512xf32, #tpu.memory_space<vmem>>
    %dma_wait3A_461 = tpu.memref_squeeze %dma_wait3A_460 : memref<1x32x512xf32, #tpu.memory_space<vmem>> -> memref<32x512xf32, #tpu.memory_space<vmem>>
    tpu.wait_dma2 semaphore(%arg13 : memref<!tpu.dma_semaphore, #tpu.memory_space<semaphore_mem>>) src(%dma_wait3A_461 : memref<32x512xf32, #tpu.memory_space<vmem>>) dst(%dma_wait3A_457 : memref<32x512xf32, #tpu.memory_space<hbm>>)
    %dma_start3A_462 = arith.constant 12 : i32
    %dma_start3A_463 = arith.constant 0 : i32
    %dma_start3A_464 = arith.constant 0 : i32
    %dma_start3A_465 = arith.constant 0 : i32
    %dma_start3A_466 = tpu.memref_slice %arg6[%dma_start3A_463, %dma_start3A_464, %dma_start3A_465] : memref<6x32x512xf32, #tpu.memory_space<vmem>> -> memref<1x32x512xf32, #tpu.memory_space<vmem>>
    %dma_start3A_467 = tpu.memref_squeeze %dma_start3A_466 : memref<1x32x512xf32, #tpu.memory_space<vmem>> -> memref<32x512xf32, #tpu.memory_space<vmem>>
    %dma_start3A_468 = arith.constant 0 : i32
    %dma_start3A_469 = tpu.memref_slice %arg5[%dma_start3A_462, %dma_start3A_468] : memref<16x32xi32, #tpu.memory_space<vmem>> -> memref<1x32xi32, #tpu.memory_space<vmem>>
    %dma_start3A_470 = tpu.memref_squeeze %dma_start3A_469 : memref<1x32xi32, #tpu.memory_space<vmem>> -> memref<32xi32, #tpu.memory_space<vmem>>
    %dma_start3A_471 = arith.constant 0 : i32
    %dma_start3A_472 = arith.constant 0 : i32
    %dma_start3A_473 = tpu.memref_slice %arg3[%dma_start3A_471, %dma_start3A_472] : memref<100000x512xf32, #tpu.memory_space<hbm>> -> memref<100000x512xf32, #tpu.memory_space<hbm>>
    tpu.enqueue_indirect_dma source(%dma_start3A_473 : memref<100000x512xf32, #tpu.memory_space<hbm>>) target(%dma_start3A_467 : memref<32x512xf32, #tpu.memory_space<vmem>>) offsets(%dma_start3A_470 : memref<32xi32, #tpu.memory_space<vmem>>) semaphore(%arg7 : memref<!tpu.dma_semaphore, #tpu.memory_space<semaphore_mem>>)
    %dma_wait3A_474 = arith.constant 8 : i32
    %dma_wait3A_475 = arith.constant 2 : i32
    %dma_wait3A_476 = arith.constant 0 : i32
    %dma_wait3A_477 = arith.constant 0 : i32
    %dma_wait3A_478 = tpu.memref_slice %arg6[%dma_wait3A_475, %dma_wait3A_476, %dma_wait3A_477] : memref<6x32x512xf32, #tpu.memory_space<vmem>> -> memref<1x32x512xf32, #tpu.memory_space<vmem>>
    %dma_wait3A_479 = tpu.memref_squeeze %dma_wait3A_478 : memref<1x32x512xf32, #tpu.memory_space<vmem>> -> memref<32x512xf32, #tpu.memory_space<vmem>>
    %dma_wait3A_480 = arith.constant 0 : i32
    %dma_wait3A_481 = tpu.memref_slice %arg5[%dma_wait3A_474, %dma_wait3A_480] : memref<16x32xi32, #tpu.memory_space<vmem>> -> memref<1x32xi32, #tpu.memory_space<vmem>>
    %dma_wait3A_482 = tpu.memref_squeeze %dma_wait3A_481 : memref<1x32xi32, #tpu.memory_space<vmem>> -> memref<32xi32, #tpu.memory_space<vmem>>
    %dma_wait3A_483 = arith.constant 0 : i32
    %dma_wait3A_484 = arith.constant 0 : i32
    %dma_wait3A_485 = tpu.memref_slice %arg3[%dma_wait3A_483, %dma_wait3A_484] : memref<100000x512xf32, #tpu.memory_space<hbm>> -> memref<100000x512xf32, #tpu.memory_space<hbm>>
    tpu.wait_indirect_dma semaphore(%arg9 : memref<!tpu.dma_semaphore, #tpu.memory_space<semaphore_mem>>) src(%dma_wait3A_485 : memref<100000x512xf32, #tpu.memory_space<hbm>>) dst(%dma_wait3A_479 : memref<32x512xf32, #tpu.memory_space<vmem>>)
    %add3A_486 = arith.constant 256 : i32
    %add3A_487 = arith.addi %mul3A_2, %add3A_486 : i32
    %dma_start3A_488 = arith.constant 2 : i32
    %dma_start3A_489 = arith.constant 0 : i32
    %dma_start3A_490 = arith.constant 0 : i32
    %dma_start3A_491 = tpu.memref_slice %arg6[%dma_start3A_488, %dma_start3A_489, %dma_start3A_490] : memref<6x32x512xf32, #tpu.memory_space<vmem>> -> memref<1x32x512xf32, #tpu.memory_space<vmem>>
    %dma_start3A_492 = tpu.memref_squeeze %dma_start3A_491 : memref<1x32x512xf32, #tpu.memory_space<vmem>> -> memref<32x512xf32, #tpu.memory_space<vmem>>
    %dma_start3A_493 = arith.constant 0 : i32
    %dma_start3A_494 = tpu.memref_slice %arg4[%add3A_487, %dma_start3A_493] : memref<16384x512xf32, #tpu.memory_space<hbm>> -> memref<32x512xf32, #tpu.memory_space<hbm>>
    %dma_start3A_495 = arith.constant 0 : i32
    %dma_start3A_496 = tpu.memref_slice %arg4[%add3A_487, %dma_start3A_495] : memref<16384x512xf32, #tpu.memory_space<hbm>> -> memref<32x512xf32, #tpu.memory_space<hbm>>
    %dma_start3A_497 = arith.constant 0 : i32
    %dma_start3A_498 = arith.constant 0 : i32
    %dma_start3A_499 = tpu.memref_slice %arg6[%dma_start3A_488, %dma_start3A_497, %dma_start3A_498] : memref<6x32x512xf32, #tpu.memory_space<vmem>> -> memref<1x32x512xf32, #tpu.memory_space<vmem>>
    %dma_start3A_500 = tpu.memref_squeeze %dma_start3A_499 : memref<1x32x512xf32, #tpu.memory_space<vmem>> -> memref<32x512xf32, #tpu.memory_space<vmem>>
    tpu.enqueue_dma source(%dma_start3A_500 : memref<32x512xf32, #tpu.memory_space<vmem>>) target(%dma_start3A_496 : memref<32x512xf32, #tpu.memory_space<hbm>>) target_semaphore(%arg15 : memref<!tpu.dma_semaphore, #tpu.memory_space<semaphore_mem>>)
    %dma_wait3A_501 = arith.constant 1 : i32
    %dma_wait3A_502 = arith.constant 0 : i32
    %dma_wait3A_503 = arith.constant 0 : i32
    %dma_wait3A_504 = tpu.memref_slice %arg6[%dma_wait3A_501, %dma_wait3A_502, %dma_wait3A_503] : memref<6x32x512xf32, #tpu.memory_space<vmem>> -> memref<1x32x512xf32, #tpu.memory_space<vmem>>
    %dma_wait3A_505 = tpu.memref_squeeze %dma_wait3A_504 : memref<1x32x512xf32, #tpu.memory_space<vmem>> -> memref<32x512xf32, #tpu.memory_space<vmem>>
    %dma_wait3A_506 = arith.constant 0 : i32
    %dma_wait3A_507 = tpu.memref_slice %arg4[%add3A_435, %dma_wait3A_506] : memref<16384x512xf32, #tpu.memory_space<hbm>> -> memref<32x512xf32, #tpu.memory_space<hbm>>
    %dma_wait3A_508 = arith.constant 0 : i32
    %dma_wait3A_509 = tpu.memref_slice %arg4[%add3A_435, %dma_wait3A_508] : memref<16384x512xf32, #tpu.memory_space<hbm>> -> memref<32x512xf32, #tpu.memory_space<hbm>>
    %dma_wait3A_510 = arith.constant 0 : i32
    %dma_wait3A_511 = arith.constant 0 : i32
    %dma_wait3A_512 = tpu.memref_slice %arg6[%dma_wait3A_501, %dma_wait3A_510, %dma_wait3A_511] : memref<6x32x512xf32, #tpu.memory_space<vmem>> -> memref<1x32x512xf32, #tpu.memory_space<vmem>>
    %dma_wait3A_513 = tpu.memref_squeeze %dma_wait3A_512 : memref<1x32x512xf32, #tpu.memory_space<vmem>> -> memref<32x512xf32, #tpu.memory_space<vmem>>
    tpu.wait_dma2 semaphore(%arg14 : memref<!tpu.dma_semaphore, #tpu.memory_space<semaphore_mem>>) src(%dma_wait3A_513 : memref<32x512xf32, #tpu.memory_space<vmem>>) dst(%dma_wait3A_509 : memref<32x512xf32, #tpu.memory_space<hbm>>)
    %dma_start3A_514 = arith.constant 13 : i32
    %dma_start3A_515 = arith.constant 1 : i32
    %dma_start3A_516 = arith.constant 0 : i32
    %dma_start3A_517 = arith.constant 0 : i32
    %dma_start3A_518 = tpu.memref_slice %arg6[%dma_start3A_515, %dma_start3A_516, %dma_start3A_517] : memref<6x32x512xf32, #tpu.memory_space<vmem>> -> memref<1x32x512xf32, #tpu.memory_space<vmem>>
    %dma_start3A_519 = tpu.memref_squeeze %dma_start3A_518 : memref<1x32x512xf32, #tpu.memory_space<vmem>> -> memref<32x512xf32, #tpu.memory_space<vmem>>
    %dma_start3A_520 = arith.constant 0 : i32
    %dma_start3A_521 = tpu.memref_slice %arg5[%dma_start3A_514, %dma_start3A_520] : memref<16x32xi32, #tpu.memory_space<vmem>> -> memref<1x32xi32, #tpu.memory_space<vmem>>
    %dma_start3A_522 = tpu.memref_squeeze %dma_start3A_521 : memref<1x32xi32, #tpu.memory_space<vmem>> -> memref<32xi32, #tpu.memory_space<vmem>>
    %dma_start3A_523 = arith.constant 0 : i32
    %dma_start3A_524 = arith.constant 0 : i32
    %dma_start3A_525 = tpu.memref_slice %arg3[%dma_start3A_523, %dma_start3A_524] : memref<100000x512xf32, #tpu.memory_space<hbm>> -> memref<100000x512xf32, #tpu.memory_space<hbm>>
    tpu.enqueue_indirect_dma source(%dma_start3A_525 : memref<100000x512xf32, #tpu.memory_space<hbm>>) target(%dma_start3A_519 : memref<32x512xf32, #tpu.memory_space<vmem>>) offsets(%dma_start3A_522 : memref<32xi32, #tpu.memory_space<vmem>>) semaphore(%arg8 : memref<!tpu.dma_semaphore, #tpu.memory_space<semaphore_mem>>)
    %dma_wait3A_526 = arith.constant 9 : i32
    %dma_wait3A_527 = arith.constant 3 : i32
    %dma_wait3A_528 = arith.constant 0 : i32
    %dma_wait3A_529 = arith.constant 0 : i32
    %dma_wait3A_530 = tpu.memref_slice %arg6[%dma_wait3A_527, %dma_wait3A_528, %dma_wait3A_529] : memref<6x32x512xf32, #tpu.memory_space<vmem>> -> memref<1x32x512xf32, #tpu.memory_space<vmem>>
    %dma_wait3A_531 = tpu.memref_squeeze %dma_wait3A_530 : memref<1x32x512xf32, #tpu.memory_space<vmem>> -> memref<32x512xf32, #tpu.memory_space<vmem>>
    %dma_wait3A_532 = arith.constant 0 : i32
    %dma_wait3A_533 = tpu.memref_slice %arg5[%dma_wait3A_526, %dma_wait3A_532] : memref<16x32xi32, #tpu.memory_space<vmem>> -> memref<1x32xi32, #tpu.memory_space<vmem>>
    %dma_wait3A_534 = tpu.memref_squeeze %dma_wait3A_533 : memref<1x32xi32, #tpu.memory_space<vmem>> -> memref<32xi32, #tpu.memory_space<vmem>>
    %dma_wait3A_535 = arith.constant 0 : i32
    %dma_wait3A_536 = arith.constant 0 : i32
    %dma_wait3A_537 = tpu.memref_slice %arg3[%dma_wait3A_535, %dma_wait3A_536] : memref<100000x512xf32, #tpu.memory_space<hbm>> -> memref<100000x512xf32, #tpu.memory_space<hbm>>
    tpu.wait_indirect_dma semaphore(%arg10 : memref<!tpu.dma_semaphore, #tpu.memory_space<semaphore_mem>>) src(%dma_wait3A_537 : memref<100000x512xf32, #tpu.memory_space<hbm>>) dst(%dma_wait3A_531 : memref<32x512xf32, #tpu.memory_space<vmem>>)
    %add3A_538 = arith.constant 288 : i32
    %add3A_539 = arith.addi %mul3A_2, %add3A_538 : i32
    %dma_start3A_540 = arith.constant 3 : i32
    %dma_start3A_541 = arith.constant 0 : i32
    %dma_start3A_542 = arith.constant 0 : i32
    %dma_start3A_543 = tpu.memref_slice %arg6[%dma_start3A_540, %dma_start3A_541, %dma_start3A_542] : memref<6x32x512xf32, #tpu.memory_space<vmem>> -> memref<1x32x512xf32, #tpu.memory_space<vmem>>
    %dma_start3A_544 = tpu.memref_squeeze %dma_start3A_543 : memref<1x32x512xf32, #tpu.memory_space<vmem>> -> memref<32x512xf32, #tpu.memory_space<vmem>>
    %dma_start3A_545 = arith.constant 0 : i32
    %dma_start3A_546 = tpu.memref_slice %arg4[%add3A_539, %dma_start3A_545] : memref<16384x512xf32, #tpu.memory_space<hbm>> -> memref<32x512xf32, #tpu.memory_space<hbm>>
    %dma_start3A_547 = arith.constant 0 : i32
    %dma_start3A_548 = tpu.memref_slice %arg4[%add3A_539, %dma_start3A_547] : memref<16384x512xf32, #tpu.memory_space<hbm>> -> memref<32x512xf32, #tpu.memory_space<hbm>>
    %dma_start3A_549 = arith.constant 0 : i32
    %dma_start3A_550 = arith.constant 0 : i32
    %dma_start3A_551 = tpu.memref_slice %arg6[%dma_start3A_540, %dma_start3A_549, %dma_start3A_550] : memref<6x32x512xf32, #tpu.memory_space<vmem>> -> memref<1x32x512xf32, #tpu.memory_space<vmem>>
    %dma_start3A_552 = tpu.memref_squeeze %dma_start3A_551 : memref<1x32x512xf32, #tpu.memory_space<vmem>> -> memref<32x512xf32, #tpu.memory_space<vmem>>
    tpu.enqueue_dma source(%dma_start3A_552 : memref<32x512xf32, #tpu.memory_space<vmem>>) target(%dma_start3A_548 : memref<32x512xf32, #tpu.memory_space<hbm>>) target_semaphore(%arg16 : memref<!tpu.dma_semaphore, #tpu.memory_space<semaphore_mem>>)
    %dma_wait3A_553 = arith.constant 2 : i32
    %dma_wait3A_554 = arith.constant 0 : i32
    %dma_wait3A_555 = arith.constant 0 : i32
    %dma_wait3A_556 = tpu.memref_slice %arg6[%dma_wait3A_553, %dma_wait3A_554, %dma_wait3A_555] : memref<6x32x512xf32, #tpu.memory_space<vmem>> -> memref<1x32x512xf32, #tpu.memory_space<vmem>>
    %dma_wait3A_557 = tpu.memref_squeeze %dma_wait3A_556 : memref<1x32x512xf32, #tpu.memory_space<vmem>> -> memref<32x512xf32, #tpu.memory_space<vmem>>
    %dma_wait3A_558 = arith.constant 0 : i32
    %dma_wait3A_559 = tpu.memref_slice %arg4[%add3A_487, %dma_wait3A_558] : memref<16384x512xf32, #tpu.memory_space<hbm>> -> memref<32x512xf32, #tpu.memory_space<hbm>>
    %dma_wait3A_560 = arith.constant 0 : i32
    %dma_wait3A_561 = tpu.memref_slice %arg4[%add3A_487, %dma_wait3A_560] : memref<16384x512xf32, #tpu.memory_space<hbm>> -> memref<32x512xf32, #tpu.memory_space<hbm>>
    %dma_wait3A_562 = arith.constant 0 : i32
    %dma_wait3A_563 = arith.constant 0 : i32
    %dma_wait3A_564 = tpu.memref_slice %arg6[%dma_wait3A_553, %dma_wait3A_562, %dma_wait3A_563] : memref<6x32x512xf32, #tpu.memory_space<vmem>> -> memref<1x32x512xf32, #tpu.memory_space<vmem>>
    %dma_wait3A_565 = tpu.memref_squeeze %dma_wait3A_564 : memref<1x32x512xf32, #tpu.memory_space<vmem>> -> memref<32x512xf32, #tpu.memory_space<vmem>>
    tpu.wait_dma2 semaphore(%arg15 : memref<!tpu.dma_semaphore, #tpu.memory_space<semaphore_mem>>) src(%dma_wait3A_565 : memref<32x512xf32, #tpu.memory_space<vmem>>) dst(%dma_wait3A_561 : memref<32x512xf32, #tpu.memory_space<hbm>>)
    %dma_start3A_566 = arith.constant 14 : i32
    %dma_start3A_567 = arith.constant 2 : i32
    %dma_start3A_568 = arith.constant 0 : i32
    %dma_start3A_569 = arith.constant 0 : i32
    %dma_start3A_570 = tpu.memref_slice %arg6[%dma_start3A_567, %dma_start3A_568, %dma_start3A_569] : memref<6x32x512xf32, #tpu.memory_space<vmem>> -> memref<1x32x512xf32, #tpu.memory_space<vmem>>
    %dma_start3A_571 = tpu.memref_squeeze %dma_start3A_570 : memref<1x32x512xf32, #tpu.memory_space<vmem>> -> memref<32x512xf32, #tpu.memory_space<vmem>>
    %dma_start3A_572 = arith.constant 0 : i32
    %dma_start3A_573 = tpu.memref_slice %arg5[%dma_start3A_566, %dma_start3A_572] : memref<16x32xi32, #tpu.memory_space<vmem>> -> memref<1x32xi32, #tpu.memory_space<vmem>>
    %dma_start3A_574 = tpu.memref_squeeze %dma_start3A_573 : memref<1x32xi32, #tpu.memory_space<vmem>> -> memref<32xi32, #tpu.memory_space<vmem>>
    %dma_start3A_575 = arith.constant 0 : i32
    %dma_start3A_576 = arith.constant 0 : i32
    %dma_start3A_577 = tpu.memref_slice %arg3[%dma_start3A_575, %dma_start3A_576] : memref<100000x512xf32, #tpu.memory_space<hbm>> -> memref<100000x512xf32, #tpu.memory_space<hbm>>
    tpu.enqueue_indirect_dma source(%dma_start3A_577 : memref<100000x512xf32, #tpu.memory_space<hbm>>) target(%dma_start3A_571 : memref<32x512xf32, #tpu.memory_space<vmem>>) offsets(%dma_start3A_574 : memref<32xi32, #tpu.memory_space<vmem>>) semaphore(%arg9 : memref<!tpu.dma_semaphore, #tpu.memory_space<semaphore_mem>>)
    %dma_wait3A_578 = arith.constant 10 : i32
    %dma_wait3A_579 = arith.constant 4 : i32
    %dma_wait3A_580 = arith.constant 0 : i32
    %dma_wait3A_581 = arith.constant 0 : i32
    %dma_wait3A_582 = tpu.memref_slice %arg6[%dma_wait3A_579, %dma_wait3A_580, %dma_wait3A_581] : memref<6x32x512xf32, #tpu.memory_space<vmem>> -> memref<1x32x512xf32, #tpu.memory_space<vmem>>
    %dma_wait3A_583 = tpu.memref_squeeze %dma_wait3A_582 : memref<1x32x512xf32, #tpu.memory_space<vmem>> -> memref<32x512xf32, #tpu.memory_space<vmem>>
    %dma_wait3A_584 = arith.constant 0 : i32
    %dma_wait3A_585 = tpu.memref_slice %arg5[%dma_wait3A_578, %dma_wait3A_584] : memref<16x32xi32, #tpu.memory_space<vmem>> -> memref<1x32xi32, #tpu.memory_space<vmem>>
    %dma_wait3A_586 = tpu.memref_squeeze %dma_wait3A_585 : memref<1x32xi32, #tpu.memory_space<vmem>> -> memref<32xi32, #tpu.memory_space<vmem>>
    %dma_wait3A_587 = arith.constant 0 : i32
    %dma_wait3A_588 = arith.constant 0 : i32
    %dma_wait3A_589 = tpu.memref_slice %arg3[%dma_wait3A_587, %dma_wait3A_588] : memref<100000x512xf32, #tpu.memory_space<hbm>> -> memref<100000x512xf32, #tpu.memory_space<hbm>>
    tpu.wait_indirect_dma semaphore(%arg11 : memref<!tpu.dma_semaphore, #tpu.memory_space<semaphore_mem>>) src(%dma_wait3A_589 : memref<100000x512xf32, #tpu.memory_space<hbm>>) dst(%dma_wait3A_583 : memref<32x512xf32, #tpu.memory_space<vmem>>)
    %add3A_590 = arith.constant 320 : i32
    %add3A_591 = arith.addi %mul3A_2, %add3A_590 : i32
    %dma_start3A_592 = arith.constant 4 : i32
    %dma_start3A_593 = arith.constant 0 : i32
    %dma_start3A_594 = arith.constant 0 : i32
    %dma_start3A_595 = tpu.memref_slice %arg6[%dma_start3A_592, %dma_start3A_593, %dma_start3A_594] : memref<6x32x512xf32, #tpu.memory_space<vmem>> -> memref<1x32x512xf32, #tpu.memory_space<vmem>>
    %dma_start3A_596 = tpu.memref_squeeze %dma_start3A_595 : memref<1x32x512xf32, #tpu.memory_space<vmem>> -> memref<32x512xf32, #tpu.memory_space<vmem>>
    %dma_start3A_597 = arith.constant 0 : i32
    %dma_start3A_598 = tpu.memref_slice %arg4[%add3A_591, %dma_start3A_597] : memref<16384x512xf32, #tpu.memory_space<hbm>> -> memref<32x512xf32, #tpu.memory_space<hbm>>
    %dma_start3A_599 = arith.constant 0 : i32
    %dma_start3A_600 = tpu.memref_slice %arg4[%add3A_591, %dma_start3A_599] : memref<16384x512xf32, #tpu.memory_space<hbm>> -> memref<32x512xf32, #tpu.memory_space<hbm>>
    %dma_start3A_601 = arith.constant 0 : i32
    %dma_start3A_602 = arith.constant 0 : i32
    %dma_start3A_603 = tpu.memref_slice %arg6[%dma_start3A_592, %dma_start3A_601, %dma_start3A_602] : memref<6x32x512xf32, #tpu.memory_space<vmem>> -> memref<1x32x512xf32, #tpu.memory_space<vmem>>
    %dma_start3A_604 = tpu.memref_squeeze %dma_start3A_603 : memref<1x32x512xf32, #tpu.memory_space<vmem>> -> memref<32x512xf32, #tpu.memory_space<vmem>>
    tpu.enqueue_dma source(%dma_start3A_604 : memref<32x512xf32, #tpu.memory_space<vmem>>) target(%dma_start3A_600 : memref<32x512xf32, #tpu.memory_space<hbm>>) target_semaphore(%arg17 : memref<!tpu.dma_semaphore, #tpu.memory_space<semaphore_mem>>)
    %dma_wait3A_605 = arith.constant 3 : i32
    %dma_wait3A_606 = arith.constant 0 : i32
    %dma_wait3A_607 = arith.constant 0 : i32
    %dma_wait3A_608 = tpu.memref_slice %arg6[%dma_wait3A_605, %dma_wait3A_606, %dma_wait3A_607] : memref<6x32x512xf32, #tpu.memory_space<vmem>> -> memref<1x32x512xf32, #tpu.memory_space<vmem>>
    %dma_wait3A_609 = tpu.memref_squeeze %dma_wait3A_608 : memref<1x32x512xf32, #tpu.memory_space<vmem>> -> memref<32x512xf32, #tpu.memory_space<vmem>>
    %dma_wait3A_610 = arith.constant 0 : i32
    %dma_wait3A_611 = tpu.memref_slice %arg4[%add3A_539, %dma_wait3A_610] : memref<16384x512xf32, #tpu.memory_space<hbm>> -> memref<32x512xf32, #tpu.memory_space<hbm>>
    %dma_wait3A_612 = arith.constant 0 : i32
    %dma_wait3A_613 = tpu.memref_slice %arg4[%add3A_539, %dma_wait3A_612] : memref<16384x512xf32, #tpu.memory_space<hbm>> -> memref<32x512xf32, #tpu.memory_space<hbm>>
    %dma_wait3A_614 = arith.constant 0 : i32
    %dma_wait3A_615 = arith.constant 0 : i32
    %dma_wait3A_616 = tpu.memref_slice %arg6[%dma_wait3A_605, %dma_wait3A_614, %dma_wait3A_615] : memref<6x32x512xf32, #tpu.memory_space<vmem>> -> memref<1x32x512xf32, #tpu.memory_space<vmem>>
    %dma_wait3A_617 = tpu.memref_squeeze %dma_wait3A_616 : memref<1x32x512xf32, #tpu.memory_space<vmem>> -> memref<32x512xf32, #tpu.memory_space<vmem>>
    tpu.wait_dma2 semaphore(%arg16 : memref<!tpu.dma_semaphore, #tpu.memory_space<semaphore_mem>>) src(%dma_wait3A_617 : memref<32x512xf32, #tpu.memory_space<vmem>>) dst(%dma_wait3A_613 : memref<32x512xf32, #tpu.memory_space<hbm>>)
    %dma_start3A_618 = arith.constant 15 : i32
    %dma_start3A_619 = arith.constant 3 : i32
    %dma_start3A_620 = arith.constant 0 : i32
    %dma_start3A_621 = arith.constant 0 : i32
    %dma_start3A_622 = tpu.memref_slice %arg6[%dma_start3A_619, %dma_start3A_620, %dma_start3A_621] : memref<6x32x512xf32, #tpu.memory_space<vmem>> -> memref<1x32x512xf32, #tpu.memory_space<vmem>>
    %dma_start3A_623 = tpu.memref_squeeze %dma_start3A_622 : memref<1x32x512xf32, #tpu.memory_space<vmem>> -> memref<32x512xf32, #tpu.memory_space<vmem>>
    %dma_start3A_624 = arith.constant 0 : i32
    %dma_start3A_625 = tpu.memref_slice %arg5[%dma_start3A_618, %dma_start3A_624] : memref<16x32xi32, #tpu.memory_space<vmem>> -> memref<1x32xi32, #tpu.memory_space<vmem>>
    %dma_start3A_626 = tpu.memref_squeeze %dma_start3A_625 : memref<1x32xi32, #tpu.memory_space<vmem>> -> memref<32xi32, #tpu.memory_space<vmem>>
    %dma_start3A_627 = arith.constant 0 : i32
    %dma_start3A_628 = arith.constant 0 : i32
    %dma_start3A_629 = tpu.memref_slice %arg3[%dma_start3A_627, %dma_start3A_628] : memref<100000x512xf32, #tpu.memory_space<hbm>> -> memref<100000x512xf32, #tpu.memory_space<hbm>>
    tpu.enqueue_indirect_dma source(%dma_start3A_629 : memref<100000x512xf32, #tpu.memory_space<hbm>>) target(%dma_start3A_623 : memref<32x512xf32, #tpu.memory_space<vmem>>) offsets(%dma_start3A_626 : memref<32xi32, #tpu.memory_space<vmem>>) semaphore(%arg10 : memref<!tpu.dma_semaphore, #tpu.memory_space<semaphore_mem>>)
    %dma_wait3A_630 = arith.constant 11 : i32
    %dma_wait3A_631 = arith.constant 5 : i32
    %dma_wait3A_632 = arith.constant 0 : i32
    %dma_wait3A_633 = arith.constant 0 : i32
    %dma_wait3A_634 = tpu.memref_slice %arg6[%dma_wait3A_631, %dma_wait3A_632, %dma_wait3A_633] : memref<6x32x512xf32, #tpu.memory_space<vmem>> -> memref<1x32x512xf32, #tpu.memory_space<vmem>>
    %dma_wait3A_635 = tpu.memref_squeeze %dma_wait3A_634 : memref<1x32x512xf32, #tpu.memory_space<vmem>> -> memref<32x512xf32, #tpu.memory_space<vmem>>
    %dma_wait3A_636 = arith.constant 0 : i32
    %dma_wait3A_637 = tpu.memref_slice %arg5[%dma_wait3A_630, %dma_wait3A_636] : memref<16x32xi32, #tpu.memory_space<vmem>> -> memref<1x32xi32, #tpu.memory_space<vmem>>
    %dma_wait3A_638 = tpu.memref_squeeze %dma_wait3A_637 : memref<1x32xi32, #tpu.memory_space<vmem>> -> memref<32xi32, #tpu.memory_space<vmem>>
    %dma_wait3A_639 = arith.constant 0 : i32
    %dma_wait3A_640 = arith.constant 0 : i32
    %dma_wait3A_641 = tpu.memref_slice %arg3[%dma_wait3A_639, %dma_wait3A_640] : memref<100000x512xf32, #tpu.memory_space<hbm>> -> memref<100000x512xf32, #tpu.memory_space<hbm>>
    tpu.wait_indirect_dma semaphore(%arg12 : memref<!tpu.dma_semaphore, #tpu.memory_space<semaphore_mem>>) src(%dma_wait3A_641 : memref<100000x512xf32, #tpu.memory_space<hbm>>) dst(%dma_wait3A_635 : memref<32x512xf32, #tpu.memory_space<vmem>>)
    %add3A_642 = arith.constant 352 : i32
    %add3A_643 = arith.addi %mul3A_2, %add3A_642 : i32
    %dma_start3A_644 = arith.constant 5 : i32
    %dma_start3A_645 = arith.constant 0 : i32
    %dma_start3A_646 = arith.constant 0 : i32
    %dma_start3A_647 = tpu.memref_slice %arg6[%dma_start3A_644, %dma_start3A_645, %dma_start3A_646] : memref<6x32x512xf32, #tpu.memory_space<vmem>> -> memref<1x32x512xf32, #tpu.memory_space<vmem>>
    %dma_start3A_648 = tpu.memref_squeeze %dma_start3A_647 : memref<1x32x512xf32, #tpu.memory_space<vmem>> -> memref<32x512xf32, #tpu.memory_space<vmem>>
    %dma_start3A_649 = arith.constant 0 : i32
    %dma_start3A_650 = tpu.memref_slice %arg4[%add3A_643, %dma_start3A_649] : memref<16384x512xf32, #tpu.memory_space<hbm>> -> memref<32x512xf32, #tpu.memory_space<hbm>>
    %dma_start3A_651 = arith.constant 0 : i32
    %dma_start3A_652 = tpu.memref_slice %arg4[%add3A_643, %dma_start3A_651] : memref<16384x512xf32, #tpu.memory_space<hbm>> -> memref<32x512xf32, #tpu.memory_space<hbm>>
    %dma_start3A_653 = arith.constant 0 : i32
    %dma_start3A_654 = arith.constant 0 : i32
    %dma_start3A_655 = tpu.memref_slice %arg6[%dma_start3A_644, %dma_start3A_653, %dma_start3A_654] : memref<6x32x512xf32, #tpu.memory_space<vmem>> -> memref<1x32x512xf32, #tpu.memory_space<vmem>>
    %dma_start3A_656 = tpu.memref_squeeze %dma_start3A_655 : memref<1x32x512xf32, #tpu.memory_space<vmem>> -> memref<32x512xf32, #tpu.memory_space<vmem>>
    tpu.enqueue_dma source(%dma_start3A_656 : memref<32x512xf32, #tpu.memory_space<vmem>>) target(%dma_start3A_652 : memref<32x512xf32, #tpu.memory_space<hbm>>) target_semaphore(%arg18 : memref<!tpu.dma_semaphore, #tpu.memory_space<semaphore_mem>>)
    %dma_wait3A_657 = arith.constant 12 : i32
    %dma_wait3A_658 = arith.constant 0 : i32
    %dma_wait3A_659 = arith.constant 0 : i32
    %dma_wait3A_660 = arith.constant 0 : i32
    %dma_wait3A_661 = tpu.memref_slice %arg6[%dma_wait3A_658, %dma_wait3A_659, %dma_wait3A_660] : memref<6x32x512xf32, #tpu.memory_space<vmem>> -> memref<1x32x512xf32, #tpu.memory_space<vmem>>
    %dma_wait3A_662 = tpu.memref_squeeze %dma_wait3A_661 : memref<1x32x512xf32, #tpu.memory_space<vmem>> -> memref<32x512xf32, #tpu.memory_space<vmem>>
    %dma_wait3A_663 = arith.constant 0 : i32
    %dma_wait3A_664 = tpu.memref_slice %arg5[%dma_wait3A_657, %dma_wait3A_663] : memref<16x32xi32, #tpu.memory_space<vmem>> -> memref<1x32xi32, #tpu.memory_space<vmem>>
    %dma_wait3A_665 = tpu.memref_squeeze %dma_wait3A_664 : memref<1x32xi32, #tpu.memory_space<vmem>> -> memref<32xi32, #tpu.memory_space<vmem>>
    %dma_wait3A_666 = arith.constant 0 : i32
    %dma_wait3A_667 = arith.constant 0 : i32
    %dma_wait3A_668 = tpu.memref_slice %arg3[%dma_wait3A_666, %dma_wait3A_667] : memref<100000x512xf32, #tpu.memory_space<hbm>> -> memref<100000x512xf32, #tpu.memory_space<hbm>>
    tpu.wait_indirect_dma semaphore(%arg7 : memref<!tpu.dma_semaphore, #tpu.memory_space<semaphore_mem>>) src(%dma_wait3A_668 : memref<100000x512xf32, #tpu.memory_space<hbm>>) dst(%dma_wait3A_662 : memref<32x512xf32, #tpu.memory_space<vmem>>)
    %add3A_669 = arith.constant 384 : i32
    %add3A_670 = arith.addi %mul3A_2, %add3A_669 : i32
    %dma_start3A_671 = arith.constant 0 : i32
    %dma_start3A_672 = arith.constant 0 : i32
    %dma_start3A_673 = arith.constant 0 : i32
    %dma_start3A_674 = tpu.memref_slice %arg6[%dma_start3A_671, %dma_start3A_672, %dma_start3A_673] : memref<6x32x512xf32, #tpu.memory_space<vmem>> -> memref<1x32x512xf32, #tpu.memory_space<vmem>>
    %dma_start3A_675 = tpu.memref_squeeze %dma_start3A_674 : memref<1x32x512xf32, #tpu.memory_space<vmem>> -> memref<32x512xf32, #tpu.memory_space<vmem>>
    %dma_start3A_676 = arith.constant 0 : i32
    %dma_start3A_677 = tpu.memref_slice %arg4[%add3A_670, %dma_start3A_676] : memref<16384x512xf32, #tpu.memory_space<hbm>> -> memref<32x512xf32, #tpu.memory_space<hbm>>
    %dma_start3A_678 = arith.constant 0 : i32
    %dma_start3A_679 = tpu.memref_slice %arg4[%add3A_670, %dma_start3A_678] : memref<16384x512xf32, #tpu.memory_space<hbm>> -> memref<32x512xf32, #tpu.memory_space<hbm>>
    %dma_start3A_680 = arith.constant 0 : i32
    %dma_start3A_681 = arith.constant 0 : i32
    %dma_start3A_682 = tpu.memref_slice %arg6[%dma_start3A_671, %dma_start3A_680, %dma_start3A_681] : memref<6x32x512xf32, #tpu.memory_space<vmem>> -> memref<1x32x512xf32, #tpu.memory_space<vmem>>
    %dma_start3A_683 = tpu.memref_squeeze %dma_start3A_682 : memref<1x32x512xf32, #tpu.memory_space<vmem>> -> memref<32x512xf32, #tpu.memory_space<vmem>>
    tpu.enqueue_dma source(%dma_start3A_683 : memref<32x512xf32, #tpu.memory_space<vmem>>) target(%dma_start3A_679 : memref<32x512xf32, #tpu.memory_space<hbm>>) target_semaphore(%arg13 : memref<!tpu.dma_semaphore, #tpu.memory_space<semaphore_mem>>)
    %dma_wait3A_684 = arith.constant 13 : i32
    %dma_wait3A_685 = arith.constant 1 : i32
    %dma_wait3A_686 = arith.constant 0 : i32
    %dma_wait3A_687 = arith.constant 0 : i32
    %dma_wait3A_688 = tpu.memref_slice %arg6[%dma_wait3A_685, %dma_wait3A_686, %dma_wait3A_687] : memref<6x32x512xf32, #tpu.memory_space<vmem>> -> memref<1x32x512xf32, #tpu.memory_space<vmem>>
    %dma_wait3A_689 = tpu.memref_squeeze %dma_wait3A_688 : memref<1x32x512xf32, #tpu.memory_space<vmem>> -> memref<32x512xf32, #tpu.memory_space<vmem>>
    %dma_wait3A_690 = arith.constant 0 : i32
    %dma_wait3A_691 = tpu.memref_slice %arg5[%dma_wait3A_684, %dma_wait3A_690] : memref<16x32xi32, #tpu.memory_space<vmem>> -> memref<1x32xi32, #tpu.memory_space<vmem>>
    %dma_wait3A_692 = tpu.memref_squeeze %dma_wait3A_691 : memref<1x32xi32, #tpu.memory_space<vmem>> -> memref<32xi32, #tpu.memory_space<vmem>>
    %dma_wait3A_693 = arith.constant 0 : i32
    %dma_wait3A_694 = arith.constant 0 : i32
    %dma_wait3A_695 = tpu.memref_slice %arg3[%dma_wait3A_693, %dma_wait3A_694] : memref<100000x512xf32, #tpu.memory_space<hbm>> -> memref<100000x512xf32, #tpu.memory_space<hbm>>
    tpu.wait_indirect_dma semaphore(%arg8 : memref<!tpu.dma_semaphore, #tpu.memory_space<semaphore_mem>>) src(%dma_wait3A_695 : memref<100000x512xf32, #tpu.memory_space<hbm>>) dst(%dma_wait3A_689 : memref<32x512xf32, #tpu.memory_space<vmem>>)
    %add3A_696 = arith.constant 416 : i32
    %add3A_697 = arith.addi %mul3A_2, %add3A_696 : i32
    %dma_start3A_698 = arith.constant 1 : i32
    %dma_start3A_699 = arith.constant 0 : i32
    %dma_start3A_700 = arith.constant 0 : i32
    %dma_start3A_701 = tpu.memref_slice %arg6[%dma_start3A_698, %dma_start3A_699, %dma_start3A_700] : memref<6x32x512xf32, #tpu.memory_space<vmem>> -> memref<1x32x512xf32, #tpu.memory_space<vmem>>
    %dma_start3A_702 = tpu.memref_squeeze %dma_start3A_701 : memref<1x32x512xf32, #tpu.memory_space<vmem>> -> memref<32x512xf32, #tpu.memory_space<vmem>>
    %dma_start3A_703 = arith.constant 0 : i32
    %dma_start3A_704 = tpu.memref_slice %arg4[%add3A_697, %dma_start3A_703] : memref<16384x512xf32, #tpu.memory_space<hbm>> -> memref<32x512xf32, #tpu.memory_space<hbm>>
    %dma_start3A_705 = arith.constant 0 : i32
    %dma_start3A_706 = tpu.memref_slice %arg4[%add3A_697, %dma_start3A_705] : memref<16384x512xf32, #tpu.memory_space<hbm>> -> memref<32x512xf32, #tpu.memory_space<hbm>>
    %dma_start3A_707 = arith.constant 0 : i32
    %dma_start3A_708 = arith.constant 0 : i32
    %dma_start3A_709 = tpu.memref_slice %arg6[%dma_start3A_698, %dma_start3A_707, %dma_start3A_708] : memref<6x32x512xf32, #tpu.memory_space<vmem>> -> memref<1x32x512xf32, #tpu.memory_space<vmem>>
    %dma_start3A_710 = tpu.memref_squeeze %dma_start3A_709 : memref<1x32x512xf32, #tpu.memory_space<vmem>> -> memref<32x512xf32, #tpu.memory_space<vmem>>
    tpu.enqueue_dma source(%dma_start3A_710 : memref<32x512xf32, #tpu.memory_space<vmem>>) target(%dma_start3A_706 : memref<32x512xf32, #tpu.memory_space<hbm>>) target_semaphore(%arg14 : memref<!tpu.dma_semaphore, #tpu.memory_space<semaphore_mem>>)
    %dma_wait3A_711 = arith.constant 14 : i32
    %dma_wait3A_712 = arith.constant 2 : i32
    %dma_wait3A_713 = arith.constant 0 : i32
    %dma_wait3A_714 = arith.constant 0 : i32
    %dma_wait3A_715 = tpu.memref_slice %arg6[%dma_wait3A_712, %dma_wait3A_713, %dma_wait3A_714] : memref<6x32x512xf32, #tpu.memory_space<vmem>> -> memref<1x32x512xf32, #tpu.memory_space<vmem>>
    %dma_wait3A_716 = tpu.memref_squeeze %dma_wait3A_715 : memref<1x32x512xf32, #tpu.memory_space<vmem>> -> memref<32x512xf32, #tpu.memory_space<vmem>>
    %dma_wait3A_717 = arith.constant 0 : i32
    %dma_wait3A_718 = tpu.memref_slice %arg5[%dma_wait3A_711, %dma_wait3A_717] : memref<16x32xi32, #tpu.memory_space<vmem>> -> memref<1x32xi32, #tpu.memory_space<vmem>>
    %dma_wait3A_719 = tpu.memref_squeeze %dma_wait3A_718 : memref<1x32xi32, #tpu.memory_space<vmem>> -> memref<32xi32, #tpu.memory_space<vmem>>
    %dma_wait3A_720 = arith.constant 0 : i32
    %dma_wait3A_721 = arith.constant 0 : i32
    %dma_wait3A_722 = tpu.memref_slice %arg3[%dma_wait3A_720, %dma_wait3A_721] : memref<100000x512xf32, #tpu.memory_space<hbm>> -> memref<100000x512xf32, #tpu.memory_space<hbm>>
    tpu.wait_indirect_dma semaphore(%arg9 : memref<!tpu.dma_semaphore, #tpu.memory_space<semaphore_mem>>) src(%dma_wait3A_722 : memref<100000x512xf32, #tpu.memory_space<hbm>>) dst(%dma_wait3A_716 : memref<32x512xf32, #tpu.memory_space<vmem>>)
    %add3A_723 = arith.constant 448 : i32
    %add3A_724 = arith.addi %mul3A_2, %add3A_723 : i32
    %dma_start3A_725 = arith.constant 2 : i32
    %dma_start3A_726 = arith.constant 0 : i32
    %dma_start3A_727 = arith.constant 0 : i32
    %dma_start3A_728 = tpu.memref_slice %arg6[%dma_start3A_725, %dma_start3A_726, %dma_start3A_727] : memref<6x32x512xf32, #tpu.memory_space<vmem>> -> memref<1x32x512xf32, #tpu.memory_space<vmem>>
    %dma_start3A_729 = tpu.memref_squeeze %dma_start3A_728 : memref<1x32x512xf32, #tpu.memory_space<vmem>> -> memref<32x512xf32, #tpu.memory_space<vmem>>
    %dma_start3A_730 = arith.constant 0 : i32
    %dma_start3A_731 = tpu.memref_slice %arg4[%add3A_724, %dma_start3A_730] : memref<16384x512xf32, #tpu.memory_space<hbm>> -> memref<32x512xf32, #tpu.memory_space<hbm>>
    %dma_start3A_732 = arith.constant 0 : i32
    %dma_start3A_733 = tpu.memref_slice %arg4[%add3A_724, %dma_start3A_732] : memref<16384x512xf32, #tpu.memory_space<hbm>> -> memref<32x512xf32, #tpu.memory_space<hbm>>
    %dma_start3A_734 = arith.constant 0 : i32
    %dma_start3A_735 = arith.constant 0 : i32
    %dma_start3A_736 = tpu.memref_slice %arg6[%dma_start3A_725, %dma_start3A_734, %dma_start3A_735] : memref<6x32x512xf32, #tpu.memory_space<vmem>> -> memref<1x32x512xf32, #tpu.memory_space<vmem>>
    %dma_start3A_737 = tpu.memref_squeeze %dma_start3A_736 : memref<1x32x512xf32, #tpu.memory_space<vmem>> -> memref<32x512xf32, #tpu.memory_space<vmem>>
    tpu.enqueue_dma source(%dma_start3A_737 : memref<32x512xf32, #tpu.memory_space<vmem>>) target(%dma_start3A_733 : memref<32x512xf32, #tpu.memory_space<hbm>>) target_semaphore(%arg15 : memref<!tpu.dma_semaphore, #tpu.memory_space<semaphore_mem>>)
    %dma_wait3A_738 = arith.constant 15 : i32
    %dma_wait3A_739 = arith.constant 3 : i32
    %dma_wait3A_740 = arith.constant 0 : i32
    %dma_wait3A_741 = arith.constant 0 : i32
    %dma_wait3A_742 = tpu.memref_slice %arg6[%dma_wait3A_739, %dma_wait3A_740, %dma_wait3A_741] : memref<6x32x512xf32, #tpu.memory_space<vmem>> -> memref<1x32x512xf32, #tpu.memory_space<vmem>>
    %dma_wait3A_743 = tpu.memref_squeeze %dma_wait3A_742 : memref<1x32x512xf32, #tpu.memory_space<vmem>> -> memref<32x512xf32, #tpu.memory_space<vmem>>
    %dma_wait3A_744 = arith.constant 0 : i32
    %dma_wait3A_745 = tpu.memref_slice %arg5[%dma_wait3A_738, %dma_wait3A_744] : memref<16x32xi32, #tpu.memory_space<vmem>> -> memref<1x32xi32, #tpu.memory_space<vmem>>
    %dma_wait3A_746 = tpu.memref_squeeze %dma_wait3A_745 : memref<1x32xi32, #tpu.memory_space<vmem>> -> memref<32xi32, #tpu.memory_space<vmem>>
    %dma_wait3A_747 = arith.constant 0 : i32
    %dma_wait3A_748 = arith.constant 0 : i32
    %dma_wait3A_749 = tpu.memref_slice %arg3[%dma_wait3A_747, %dma_wait3A_748] : memref<100000x512xf32, #tpu.memory_space<hbm>> -> memref<100000x512xf32, #tpu.memory_space<hbm>>
    tpu.wait_indirect_dma semaphore(%arg10 : memref<!tpu.dma_semaphore, #tpu.memory_space<semaphore_mem>>) src(%dma_wait3A_749 : memref<100000x512xf32, #tpu.memory_space<hbm>>) dst(%dma_wait3A_743 : memref<32x512xf32, #tpu.memory_space<vmem>>)
    %add3A_750 = arith.constant 480 : i32
    %add3A_751 = arith.addi %mul3A_2, %add3A_750 : i32
    %dma_start3A_752 = arith.constant 3 : i32
    %dma_start3A_753 = arith.constant 0 : i32
    %dma_start3A_754 = arith.constant 0 : i32
    %dma_start3A_755 = tpu.memref_slice %arg6[%dma_start3A_752, %dma_start3A_753, %dma_start3A_754] : memref<6x32x512xf32, #tpu.memory_space<vmem>> -> memref<1x32x512xf32, #tpu.memory_space<vmem>>
    %dma_start3A_756 = tpu.memref_squeeze %dma_start3A_755 : memref<1x32x512xf32, #tpu.memory_space<vmem>> -> memref<32x512xf32, #tpu.memory_space<vmem>>
    %dma_start3A_757 = arith.constant 0 : i32
    %dma_start3A_758 = tpu.memref_slice %arg4[%add3A_751, %dma_start3A_757] : memref<16384x512xf32, #tpu.memory_space<hbm>> -> memref<32x512xf32, #tpu.memory_space<hbm>>
    %dma_start3A_759 = arith.constant 0 : i32
    %dma_start3A_760 = tpu.memref_slice %arg4[%add3A_751, %dma_start3A_759] : memref<16384x512xf32, #tpu.memory_space<hbm>> -> memref<32x512xf32, #tpu.memory_space<hbm>>
    %dma_start3A_761 = arith.constant 0 : i32
    %dma_start3A_762 = arith.constant 0 : i32
    %dma_start3A_763 = tpu.memref_slice %arg6[%dma_start3A_752, %dma_start3A_761, %dma_start3A_762] : memref<6x32x512xf32, #tpu.memory_space<vmem>> -> memref<1x32x512xf32, #tpu.memory_space<vmem>>
    %dma_start3A_764 = tpu.memref_squeeze %dma_start3A_763 : memref<1x32x512xf32, #tpu.memory_space<vmem>> -> memref<32x512xf32, #tpu.memory_space<vmem>>
    tpu.enqueue_dma source(%dma_start3A_764 : memref<32x512xf32, #tpu.memory_space<vmem>>) target(%dma_start3A_760 : memref<32x512xf32, #tpu.memory_space<hbm>>) target_semaphore(%arg16 : memref<!tpu.dma_semaphore, #tpu.memory_space<semaphore_mem>>)
    %dma_wait3A_765 = arith.constant 4 : i32
    %dma_wait3A_766 = arith.constant 0 : i32
    %dma_wait3A_767 = arith.constant 0 : i32
    %dma_wait3A_768 = tpu.memref_slice %arg6[%dma_wait3A_765, %dma_wait3A_766, %dma_wait3A_767] : memref<6x32x512xf32, #tpu.memory_space<vmem>> -> memref<1x32x512xf32, #tpu.memory_space<vmem>>
    %dma_wait3A_769 = tpu.memref_squeeze %dma_wait3A_768 : memref<1x32x512xf32, #tpu.memory_space<vmem>> -> memref<32x512xf32, #tpu.memory_space<vmem>>
    %dma_wait3A_770 = arith.constant 0 : i32
    %dma_wait3A_771 = tpu.memref_slice %arg4[%add3A_591, %dma_wait3A_770] : memref<16384x512xf32, #tpu.memory_space<hbm>> -> memref<32x512xf32, #tpu.memory_space<hbm>>
    %dma_wait3A_772 = arith.constant 0 : i32
    %dma_wait3A_773 = tpu.memref_slice %arg4[%add3A_591, %dma_wait3A_772] : memref<16384x512xf32, #tpu.memory_space<hbm>> -> memref<32x512xf32, #tpu.memory_space<hbm>>
    %dma_wait3A_774 = arith.constant 0 : i32
    %dma_wait3A_775 = arith.constant 0 : i32
    %dma_wait3A_776 = tpu.memref_slice %arg6[%dma_wait3A_765, %dma_wait3A_774, %dma_wait3A_775] : memref<6x32x512xf32, #tpu.memory_space<vmem>> -> memref<1x32x512xf32, #tpu.memory_space<vmem>>
    %dma_wait3A_777 = tpu.memref_squeeze %dma_wait3A_776 : memref<1x32x512xf32, #tpu.memory_space<vmem>> -> memref<32x512xf32, #tpu.memory_space<vmem>>
    tpu.wait_dma2 semaphore(%arg17 : memref<!tpu.dma_semaphore, #tpu.memory_space<semaphore_mem>>) src(%dma_wait3A_777 : memref<32x512xf32, #tpu.memory_space<vmem>>) dst(%dma_wait3A_773 : memref<32x512xf32, #tpu.memory_space<hbm>>)
    %dma_wait3A_778 = arith.constant 5 : i32
    %dma_wait3A_779 = arith.constant 0 : i32
    %dma_wait3A_780 = arith.constant 0 : i32
    %dma_wait3A_781 = tpu.memref_slice %arg6[%dma_wait3A_778, %dma_wait3A_779, %dma_wait3A_780] : memref<6x32x512xf32, #tpu.memory_space<vmem>> -> memref<1x32x512xf32, #tpu.memory_space<vmem>>
    %dma_wait3A_782 = tpu.memref_squeeze %dma_wait3A_781 : memref<1x32x512xf32, #tpu.memory_space<vmem>> -> memref<32x512xf32, #tpu.memory_space<vmem>>
    %dma_wait3A_783 = arith.constant 0 : i32
    %dma_wait3A_784 = tpu.memref_slice %arg4[%add3A_643, %dma_wait3A_783] : memref<16384x512xf32, #tpu.memory_space<hbm>> -> memref<32x512xf32, #tpu.memory_space<hbm>>
    %dma_wait3A_785 = arith.constant 0 : i32
    %dma_wait3A_786 = tpu.memref_slice %arg4[%add3A_643, %dma_wait3A_785] : memref<16384x512xf32, #tpu.memory_space<hbm>> -> memref<32x512xf32, #tpu.memory_space<hbm>>
    %dma_wait3A_787 = arith.constant 0 : i32
    %dma_wait3A_788 = arith.constant 0 : i32
    %dma_wait3A_789 = tpu.memref_slice %arg6[%dma_wait3A_778, %dma_wait3A_787, %dma_wait3A_788] : memref<6x32x512xf32, #tpu.memory_space<vmem>> -> memref<1x32x512xf32, #tpu.memory_space<vmem>>
    %dma_wait3A_790 = tpu.memref_squeeze %dma_wait3A_789 : memref<1x32x512xf32, #tpu.memory_space<vmem>> -> memref<32x512xf32, #tpu.memory_space<vmem>>
    tpu.wait_dma2 semaphore(%arg18 : memref<!tpu.dma_semaphore, #tpu.memory_space<semaphore_mem>>) src(%dma_wait3A_790 : memref<32x512xf32, #tpu.memory_space<vmem>>) dst(%dma_wait3A_786 : memref<32x512xf32, #tpu.memory_space<hbm>>)
    %dma_wait3A_791 = arith.constant 0 : i32
    %dma_wait3A_792 = arith.constant 0 : i32
    %dma_wait3A_793 = arith.constant 0 : i32
    %dma_wait3A_794 = tpu.memref_slice %arg6[%dma_wait3A_791, %dma_wait3A_792, %dma_wait3A_793] : memref<6x32x512xf32, #tpu.memory_space<vmem>> -> memref<1x32x512xf32, #tpu.memory_space<vmem>>
    %dma_wait3A_795 = tpu.memref_squeeze %dma_wait3A_794 : memref<1x32x512xf32, #tpu.memory_space<vmem>> -> memref<32x512xf32, #tpu.memory_space<vmem>>
    %dma_wait3A_796 = arith.constant 0 : i32
    %dma_wait3A_797 = tpu.memref_slice %arg4[%add3A_670, %dma_wait3A_796] : memref<16384x512xf32, #tpu.memory_space<hbm>> -> memref<32x512xf32, #tpu.memory_space<hbm>>
    %dma_wait3A_798 = arith.constant 0 : i32
    %dma_wait3A_799 = tpu.memref_slice %arg4[%add3A_670, %dma_wait3A_798] : memref<16384x512xf32, #tpu.memory_space<hbm>> -> memref<32x512xf32, #tpu.memory_space<hbm>>
    %dma_wait3A_800 = arith.constant 0 : i32
    %dma_wait3A_801 = arith.constant 0 : i32
    %dma_wait3A_802 = tpu.memref_slice %arg6[%dma_wait3A_791, %dma_wait3A_800, %dma_wait3A_801] : memref<6x32x512xf32, #tpu.memory_space<vmem>> -> memref<1x32x512xf32, #tpu.memory_space<vmem>>
    %dma_wait3A_803 = tpu.memref_squeeze %dma_wait3A_802 : memref<1x32x512xf32, #tpu.memory_space<vmem>> -> memref<32x512xf32, #tpu.memory_space<vmem>>
    tpu.wait_dma2 semaphore(%arg13 : memref<!tpu.dma_semaphore, #tpu.memory_space<semaphore_mem>>) src(%dma_wait3A_803 : memref<32x512xf32, #tpu.memory_space<vmem>>) dst(%dma_wait3A_799 : memref<32x512xf32, #tpu.memory_space<hbm>>)
    %dma_wait3A_804 = arith.constant 1 : i32
    %dma_wait3A_805 = arith.constant 0 : i32
    %dma_wait3A_806 = arith.constant 0 : i32
    %dma_wait3A_807 = tpu.memref_slice %arg6[%dma_wait3A_804, %dma_wait3A_805, %dma_wait3A_806] : memref<6x32x512xf32, #tpu.memory_space<vmem>> -> memref<1x32x512xf32, #tpu.memory_space<vmem>>
    %dma_wait3A_808 = tpu.memref_squeeze %dma_wait3A_807 : memref<1x32x512xf32, #tpu.memory_space<vmem>> -> memref<32x512xf32, #tpu.memory_space<vmem>>
    %dma_wait3A_809 = arith.constant 0 : i32
    %dma_wait3A_810 = tpu.memref_slice %arg4[%add3A_697, %dma_wait3A_809] : memref<16384x512xf32, #tpu.memory_space<hbm>> -> memref<32x512xf32, #tpu.memory_space<hbm>>
    %dma_wait3A_811 = arith.constant 0 : i32
    %dma_wait3A_812 = tpu.memref_slice %arg4[%add3A_697, %dma_wait3A_811] : memref<16384x512xf32, #tpu.memory_space<hbm>> -> memref<32x512xf32, #tpu.memory_space<hbm>>
    %dma_wait3A_813 = arith.constant 0 : i32
    %dma_wait3A_814 = arith.constant 0 : i32
    %dma_wait3A_815 = tpu.memref_slice %arg6[%dma_wait3A_804, %dma_wait3A_813, %dma_wait3A_814] : memref<6x32x512xf32, #tpu.memory_space<vmem>> -> memref<1x32x512xf32, #tpu.memory_space<vmem>>
    %dma_wait3A_816 = tpu.memref_squeeze %dma_wait3A_815 : memref<1x32x512xf32, #tpu.memory_space<vmem>> -> memref<32x512xf32, #tpu.memory_space<vmem>>
    tpu.wait_dma2 semaphore(%arg14 : memref<!tpu.dma_semaphore, #tpu.memory_space<semaphore_mem>>) src(%dma_wait3A_816 : memref<32x512xf32, #tpu.memory_space<vmem>>) dst(%dma_wait3A_812 : memref<32x512xf32, #tpu.memory_space<hbm>>)
    %dma_wait3A_817 = arith.constant 2 : i32
    %dma_wait3A_818 = arith.constant 0 : i32
    %dma_wait3A_819 = arith.constant 0 : i32
    %dma_wait3A_820 = tpu.memref_slice %arg6[%dma_wait3A_817, %dma_wait3A_818, %dma_wait3A_819] : memref<6x32x512xf32, #tpu.memory_space<vmem>> -> memref<1x32x512xf32, #tpu.memory_space<vmem>>
    %dma_wait3A_821 = tpu.memref_squeeze %dma_wait3A_820 : memref<1x32x512xf32, #tpu.memory_space<vmem>> -> memref<32x512xf32, #tpu.memory_space<vmem>>
    %dma_wait3A_822 = arith.constant 0 : i32
    %dma_wait3A_823 = tpu.memref_slice %arg4[%add3A_724, %dma_wait3A_822] : memref<16384x512xf32, #tpu.memory_space<hbm>> -> memref<32x512xf32, #tpu.memory_space<hbm>>
    %dma_wait3A_824 = arith.constant 0 : i32
    %dma_wait3A_825 = tpu.memref_slice %arg4[%add3A_724, %dma_wait3A_824] : memref<16384x512xf32, #tpu.memory_space<hbm>> -> memref<32x512xf32, #tpu.memory_space<hbm>>
    %dma_wait3A_826 = arith.constant 0 : i32
    %dma_wait3A_827 = arith.constant 0 : i32
    %dma_wait3A_828 = tpu.memref_slice %arg6[%dma_wait3A_817, %dma_wait3A_826, %dma_wait3A_827] : memref<6x32x512xf32, #tpu.memory_space<vmem>> -> memref<1x32x512xf32, #tpu.memory_space<vmem>>
    %dma_wait3A_829 = tpu.memref_squeeze %dma_wait3A_828 : memref<1x32x512xf32, #tpu.memory_space<vmem>> -> memref<32x512xf32, #tpu.memory_space<vmem>>
    tpu.wait_dma2 semaphore(%arg15 : memref<!tpu.dma_semaphore, #tpu.memory_space<semaphore_mem>>) src(%dma_wait3A_829 : memref<32x512xf32, #tpu.memory_space<vmem>>) dst(%dma_wait3A_825 : memref<32x512xf32, #tpu.memory_space<hbm>>)
    %dma_wait3A_830 = arith.constant 3 : i32
    %dma_wait3A_831 = arith.constant 0 : i32
    %dma_wait3A_832 = arith.constant 0 : i32
    %dma_wait3A_833 = tpu.memref_slice %arg6[%dma_wait3A_830, %dma_wait3A_831, %dma_wait3A_832] : memref<6x32x512xf32, #tpu.memory_space<vmem>> -> memref<1x32x512xf32, #tpu.memory_space<vmem>>
    %dma_wait3A_834 = tpu.memref_squeeze %dma_wait3A_833 : memref<1x32x512xf32, #tpu.memory_space<vmem>> -> memref<32x512xf32, #tpu.memory_space<vmem>>
    %dma_wait3A_835 = arith.constant 0 : i32
    %dma_wait3A_836 = tpu.memref_slice %arg4[%add3A_751, %dma_wait3A_835] : memref<16384x512xf32, #tpu.memory_space<hbm>> -> memref<32x512xf32, #tpu.memory_space<hbm>>
    %dma_wait3A_837 = arith.constant 0 : i32
    %dma_wait3A_838 = tpu.memref_slice %arg4[%add3A_751, %dma_wait3A_837] : memref<16384x512xf32, #tpu.memory_space<hbm>> -> memref<32x512xf32, #tpu.memory_space<hbm>>
    %dma_wait3A_839 = arith.constant 0 : i32
    %dma_wait3A_840 = arith.constant 0 : i32
    %dma_wait3A_841 = tpu.memref_slice %arg6[%dma_wait3A_830, %dma_wait3A_839, %dma_wait3A_840] : memref<6x32x512xf32, #tpu.memory_space<vmem>> -> memref<1x32x512xf32, #tpu.memory_space<vmem>>
    %dma_wait3A_842 = tpu.memref_squeeze %dma_wait3A_841 : memref<1x32x512xf32, #tpu.memory_space<vmem>> -> memref<32x512xf32, #tpu.memory_space<vmem>>
    tpu.wait_dma2 semaphore(%arg16 : memref<!tpu.dma_semaphore, #tpu.memory_space<semaphore_mem>>) src(%dma_wait3A_842 : memref<32x512xf32, #tpu.memory_space<vmem>>) dst(%dma_wait3A_838 : memref<32x512xf32, #tpu.memory_space<hbm>>)
    return
  }
}

</mosaic_0001>

<sc_bundles>
// kernel: kernel.3.cloned.1.call-start
scs
__scs_entry_jumppad:
0x0: {  	(pc) =	sbr.rel $0x88, $3  }
0x1: {  	(tag) =	ssettag $0x0;
	lr =	simm.s32 $0x1  }
0x2: {  	[smem:$0x3F9F] =	sst lr;
	_ =	strace $0xD0000000  }
0x3: {  	_ = 	snop  }
0x4: {  	_ = 	snop  }
0x5: {  	_ = 	snop  }
0x6: {  	_ = 	snop  }
0x7: {  	_ = 	snop  }
__scs_overlays_trampoline_lowered:
0x8: {  	[smem:$0x3FAE] =	sst s0  }
0x9: {  	[smem:$0x3FAF] =	sst s1  }
0xa: {  	[smem:$0x3FB0] =	sst s2  }
0xb: {  	[smem:$0x3FB1] =	sst s3  }
0xc: {  	[smem:$0x3FB2] =	sst s4  }
0xd: {  	[smem:$0x3FB3] =	sst s5  }
0xe: {  	[smem:$0x3FB4] =	sst s6  }
0xf: {  	[smem:$0x3FB5] =	sst s7  }
0x10: {  	[smem:$0x3FB6] =	sst s8  }
0x11: {  	[smem:$0x3FB7] =	sst s9;
	s0 =	simm.s32 @!p0 $0x0  }
0x12: {  	s1 =	sld [smem:$0x3F9D];
	s0 =	simm.s32 @p0 $0x1  }
0x13: {  	[smem:$0x3FB8] =	sst s0;
	s0 =	simm.s32 @!p1 $0x0  }
0x14: {  	s2 =	sld [smem:$0x3F9C];
	s0 =	simm.s32 @p1 $0x1  }
0x15: {  	[smem:$0x3FB9] =	sst s0;
	s0 =	simm.s32 @!p2 $0x0  }
0x16: {  	s3 =	sld [smem:$0x3FDB];
	s0 =	simm.s32 @p2 $0x1  }
0x17: {  	s4 =	simm.s32 $0x1BF5;
	[smem:$0x3FBB] =	sst s0  }
0x18: {  	s0 =	sld [smem:$0x3F9E];
	_ =	swait.ge [sflag:s4], $0x0  }
0x19: {  	s7 =	sld [smem:$0x3F9F]  }
0x1a: {  	s8 =	sadd.s32 $0xFFFFE003, lr  }
0x1b: {  	s9 =	sadd.s32 $0xFFFFFEF7, lr;
	s5 =	simm.s32 $0xFFFFFFFF;
	p2 =	slt.u32 s8, $0xFFFFF086  }
0x1c: {  	p1 =	slt.u32 s9, $0xF7A;
	s5 =	simm.s32 @!p2 $0x0  }
0x1d: {  	s5 =	simm.s32 @p1 $0x1;
	p0 =	seq.s32 s7, s2  }
0x1e: {  	s7 =	smul.u32 @!p0 $0xF7A, s2;
	p2 =	seq.s32 @!p0 s5, $0x0  }
0x1f: {  	s9 =	smul.u32 $0xF7A, s1;
	s8 =	simm.s32 @!p0 $0x1BF5;
	p2 =	por !p2, p0  }
0x20: {  	[sflag:s8] =	ssyncset.s32 @!p0 $0xFFFFF086;
	s6 =	sadd.s32 @!p0 s3, s7;
	s7 =	simm.s32 @!p0 $0x108  }
0x21: {  	s3 =	sadd.s32 s3, s9;
	s6 =	sadd.s32 @!p0 $0x88, s6;
	s7 =	simm.s32 @p2 $0x1082  }
0x22: {  	[simem:s7], [sflag:s8] =	dma.local @!p0 [hbm:s6], $0xF7A  }
0x23: {  	s9 =	sor.u32 $0xD0000000, s2;
	s6 =	simm.s32 $0x108;
	_ =	swait.ge @!p0 [sflag:s8], $0x0  }
0x24: {  	s3 =	sadd.s32 $0x88, s3;
	s6 =	simm.s32 @!p1 $0x1082;
	[sflag:s4] =	ssyncset.s32 $0xFFFFF086  }
0x25: {  	[simem:s6], [sflag:s4] =	dma.local [hbm:s3], $0xF7A  }
0x26: {  	[smem:$0x3F9F] =	sst s1;
	(tag) =	ssettag s2;
	_ =	strace s9  }
0x27: {  	s1 =	sld [smem:$0x3FAF]  }
0x28: {  	s2 =	sld [smem:$0x3FB0]  }
0x29: {  	s4 =	sld [smem:$0x3FB2]  }
0x2a: {  	p0 =	seq.s32 s5, $0x0;
	s5 =	sld [smem:$0x3FB3]  }
0x2b: {  	s6 =	sld [smem:$0x3FB4]  }
0x2c: {  	s7 =	sld [smem:$0x3FB5]  }
0x2d: {  	s3 =	simm.s32 $0x108;
	s8 =	sld [smem:$0x3FB6]  }
0x2e: {  	s3 =	simm.s32 @!p0 $0x1082;
	s9 =	sld [smem:$0x3FB7]  }
0x2f: {  	lr =	sadd.s32 s0, s3;
	s0 =	sld [smem:$0x3FAE]  }
0x30: {  	s3 =	sld [smem:$0x3FB1]  }
0x31: {  	[smem:$0x3FBA] =	sst s10  }
0x32: {  	s10 =	sld [smem:$0x3FB8];
	_ =	sdelay $0x3  }
0x33: {  	p0 =	seq.s32 s10, $0x1;
	s10 =	sld [smem:$0x3FBA];
	_ =	sdelay $0x3  }
0x34: {  	[smem:$0x3FBA] =	sst s10  }
0x35: {  	s10 =	sld [smem:$0x3FB9];
	_ =	sdelay $0x3  }
0x36: {  	p1 =	seq.s32 s10, $0x1;
	s10 =	sld [smem:$0x3FBA];
	_ =	sdelay $0x3  }
0x37: {  	[smem:$0x3FBA] =	sst s10  }
0x38: {  	s10 =	sld [smem:$0x3FBB]  }
0x39: {  	_ = 	snop;
	(pc) =	sbr.ind lr, $3  }
0x3a: {  	_ = 	snop  }
0x3b: {  	_ = 	snop  }
0x3c: {  	p2 =	seq.s32 s10, $0x1;
	s10 =	sld [smem:$0x3FBA]  }
0x3d: {  	_ =	shalt  }
0x3e: {  	_ =	shalt  }
0x3f: {  	_ =	shalt  }
0x40: {  	_ =	shalt  }
0x41: {  	_ =	shalt  }
0x42: {  	_ =	shalt  }
0x43: {  	_ =	shalt  }
0x44: {  	_ =	shalt  }
0x45: {  	_ =	shalt  }
0x46: {  	_ =	shalt  }
0x47: {  	_ =	shalt  }
0x48: {  	_ =	shalt  }
0x49: {  	_ =	shalt  }
0x4a: {  	_ =	shalt  }
0x4b: {  	_ =	shalt  }
0x4c: {  	_ =	shalt  }
0x4d: {  	_ =	shalt  }
0x4e: {  	_ =	shalt  }
0x4f: {  	_ =	shalt  }
0x50: {  	_ =	shalt  }
0x51: {  	_ =	shalt  }
0x52: {  	_ =	shalt  }
0x53: {  	_ =	shalt  }
0x54: {  	_ =	shalt  }
0x55: {  	_ =	shalt  }
0x56: {  	_ =	shalt  }
0x57: {  	_ =	shalt  }
0x58: {  	_ =	shalt  }
0x59: {  	_ =	shalt  }
0x5a: {  	_ =	shalt  }
0x5b: {  	_ =	shalt  }
0x5c: {  	_ =	shalt  }
0x5d: {  	_ =	shalt  }
0x5e: {  	_ =	shalt  }
0x5f: {  	_ =	shalt  }
0x60: {  	_ =	shalt  }
0x61: {  	_ =	shalt  }
0x62: {  	_ =	shalt  }
0x63: {  	_ =	shalt  }
0x64: {  	_ =	shalt  }
0x65: {  	_ =	shalt  }
0x66: {  	_ =	shalt  }
0x67: {  	_ =	shalt  }
0x68: {  	_ =	shalt  }
0x69: {  	_ =	shalt  }
0x6a: {  	_ =	shalt  }
0x6b: {  	_ =	shalt  }
0x6c: {  	_ =	shalt  }
0x6d: {  	_ =	shalt  }
0x6e: {  	_ =	shalt  }
0x6f: {  	_ =	shalt  }
0x70: {  	_ =	shalt  }
0x71: {  	_ =	shalt  }
0x72: {  	_ =	shalt  }
0x73: {  	_ =	shalt  }
0x74: {  	_ =	shalt  }
0x75: {  	_ =	shalt  }
0x76: {  	_ =	shalt  }
0x77: {  	_ =	shalt  }
0x78: {  	_ =	shalt  }
0x79: {  	_ =	shalt  }
0x7a: {  	_ =	shalt  }
0x7b: {  	_ =	shalt  }
0x7c: {  	_ =	shalt  }
0x7d: {  	_ =	shalt  }
0x7e: {  	_ =	shalt  }
0x7f: {  	_ =	shalt  }
0x80: {  	_ =	shalt  }
0x81: {  	_ =	shalt  }
0x82: {  	_ =	shalt  }
0x83: {  	_ =	shalt  }
0x84: {  	_ =	shalt  }
0x85: {  	_ =	shalt  }
0x86: {  	_ =	shalt  }
0x87: {  	_ =	shalt  }
.Lfunc_end0:
.L_simem_size_0:
called_computation_lowered:
.L_overlay_start_0:
0x88: {  	s2 =	sld [smem:$0x3FD9]  }
0x89: {  	s3 =	sld [smem:$0x3FFE];
	_ =	sdelay $0x1  }
0x8a: {  	s1 =	srdreg.scid  }
0x8b: {  	s0 =	sand.u32 $0x1, s1  }
0x8c: {  	s17 =	sshll.u32 s0, $0xA;
	s2 =	sadd.s32 s3, s2  }
0x8d: {  	s2 =	sadd.s32 s2, s17  }
0x8e: {  	[smem:$0x3FC6] =	sst s2  }
0x8f: {  	_ = 	snop  }
0x90: {  	s2 =	sld [smem:$0x3FC8]  }
0x91: {  	s18 =	sld [smem:$0x3FD0];
	(tm) =	ssettm $0x1  }
0x92: {  	s4 =	sld [smem:$0x3FFB];
	_ =	sdelay $0x3  }
0x93: {  	_ =	strace s4  }
0x94: {  	s4 =	sld [smem:$0x3FFC];
	_ =	sdelay $0x3  }
0x95: {  	_ =	strace s4  }
0x96: {  	s4 =	sld [smem:$0x3FFD];
	_ =	sdelay $0x3  }
0x97: {  	_ =	strace s4  }
0x98: {  	_ =	strace $0x8FFFFFFF  }
0x99: {  	s19 =	sld [smem:$0x3FDB];
	_ =	sdelay $0x1  }
0x9a: {  	s5 =	simm.s32 $_scs_section_size  }
0x9b: {  	s6 =	simm.s32 $_size__tile_overlayer_lowered;
	s7 =	simm.s32 $_tile_overlayer_lowered  }
0x9c: {  	s22 =	simm.s32 $0x1BFF;
	s21 =	sshll.u32 s7, $0x1;
	s4 =	sadd.s32 s5, s19  }
0x9d: {  	s8 =	simm.s32 $0x0;
	s20 =	sshll.u32 s6, $0x1;
	s6 =	sadd.s32 s21, s4  }
0x9e: {  	[timem:s8], [sflag:s22] =	dma.local [hbm:s6], s20  }
0x9f: {  	_ =	swait.ge [sflag:s22], s20  }
0xa0: {  	s5 =	ssub.s32 $0x0, s20;
	[sflag:s22] =	ssyncset.done $0x0  }
0xa1: {  	[sflag:s22] =	ssyncadd.s32 s5;
	_ =	sdelay $0x1  }
0xa2: {  	s23 =	simm.s32 $0x1B8B  }
0xa3: {  	_ =	swait.ge [sflag:s23], $0x1  }
0xa4: {  	[sflag:s23] =	ssyncset.done $0x0  }
0xa5: {  	s25 =	simm.s32 $0x1B8E;
	s24 =	sld [smem:$0x3FFE];
	[sflag:s23] =	ssyncadd.s32 $0xFFFFFFFF  }
0xa6: {  	s26 =	simm.s32 $execute0_lowered;
	[smem:$0x3FD2] =	sst s25  }
0xa7: {  	s6 =	sshll.u32 s26, $0x1;
	_ =	strace $0x80000046;
	[dreg:$0x1] =	wrdreg $0xFFFFFFFF  }
0xa8: {  	s28 =	simm.s32 $_size_execute0_lowered;
	s4 =	sadd.s32 s4, s6;
	[dreg:$0x0] =	wrdreg $0x0  }
0xa9: {  	s6 =	sshll.u32 s28, $0x1;
	[dreg:$0x2] =	wrdreg s4  }
0xaa: {  	[dreg:$0x3] =	wrdreg s6  }
0xab: {  	[dreg:$0x4] =	wrdreg $0xC0  }
0xac: {  	_ =	task [dreg:s8], $0x5FFFF  }
0xad: {  	[dreg:$0x1] =	wrdreg $0xFFFFFFFF  }
0xae: {  	[dreg:$0x0] =	wrdreg $0x60  }
0xaf: {  	[dreg:$0x2] =	wrdreg s24  }
0xb0: {  	[dreg:$0x3] =	wrdreg s2  }
0xb1: {  	[dreg:$0x4] =	wrdreg s18  }
0xb2: {  	[dreg:$0x5] =	wrdreg $0x9  }
0xb3: {  	_ =	task.clear_ibuf [dreg:s8], $0x6FFFF;
	_ =	strace $0x90000046  }
0xb4: {  	s29 =	simm.s32 $0x9;
	_ =	strace $0x80000048  }
0xb5: {  	_ =	swait.ge [sflag:s29], $0x1  }
0xb6: {  	[sflag:s29] =	ssyncadd.s32 $0xFFFFFFFF  }
0xb7: {  	_ =	strace $0x90000048  }
0xb8: {  	_ =	sfence  }
0xb9: {  	s30 =	sld [smem:$0x0];
	_ =	sdelay $0x2  }
0xba: {  	s31 =	sshll.u32 s1, $0xD;
	s1 =	sshrl.u32 s1, $0x2  }
0xbb: {  	s3 =	sand.u32 $0x4000, s31;
	s1 =	sadd.s32 s1, s30  }
0xbc: {  	s0 =	sor.u32 s3, s0;
	s1 =	sshll.u32 s1, $0x11  }
0xbd: {  	s0 =	sor.u32 s1, s0  }
0xbe: {  	s0 =	sadd.s32 $0x8F2B, s0  }
0xbf: {  	[sflag:s0] =	ssyncadd.remote.s32 $0x1  }
0xc0: {  	_ =	sfence.sel $0xFFFF  }
0xc1: {  	[dreg:$0x0] =	wrdreg $0xFFFFFFFF;
	(pc) =	sbr.abs _section_cstart, $3  }
0xc2: {  	[dreg:$0x1] =	wrdreg $0xFFFFFFFF  }
0xc3: {  	_ =	task.clear_ibuf [dreg:s8], $0x2FFFF;
	_ =	strace $0x9FFFFFFF  }
0xc4: {  	(tm) =	ssettm $0x7FFFFFFF  }
0xc5: {  	_ =	shalt  }
tec
execute0_lowered:
.L_overlay_start_1:
0x0: {  	(tag) =	ssettag $0x1  }
0x1: {  	s0 =	rddreg [dreg:$0x0]  }
0x2: {  	s1 =	srdreg.scid;
	s3 =	stileid.u32  }
0x3: {  	s2 =	rddreg [dreg:$0x1];
	s1 =	sand.u32 $0x1, s1;
	s3 =	sshll.u32 s3, $0x1  }
0x4: {  	s4 =	rddreg [dreg:$0x2];
	s5 =	sor.u32 s1, s3  }
0x5: {  	s3 =	simm.s32 $0x0;
	s6 =	sshll.u32 s5, $0x8;
	s5 =	sshll.u32 s5, $0xF  }
0x6: {  	[smem:$0x7FF] =	sst s3;
	s0 =	sadd.s32 s6, s0;
	s11 =	sadd.s32 s4, s5  }
0x7: {  	_ =	strace $0x80000047;
	s0 =	sadd.s32 $0x400, s0;
	[dreg:$0x14] =	wrdreg s11  }
0x8: {  	s12 =	sadd.s32 $0x800, s11;
	[dreg:$0x4] =	wrdreg s0  }
0x9: {  	s13 =	sadd.s32 $0x1000, s11;
	[dreg:$0x5] =	wrdreg s12  }
0xa: {  	s14 =	sadd.s32 $0x1800, s11;
	[dreg:$0x6] =	wrdreg s13  }
0xb: {  	s15 =	sadd.s32 $0x2000, s11;
	[dreg:$0x7] =	wrdreg s14  }
0xc: {  	s28 =	simm.s32 $0x1;
	s16 =	sadd.s32 $0x2800, s11;
	[dreg:$0x8] =	wrdreg s15  }
0xd: {  	s7 =	simm.s32 $0x8800;
	s17 =	sadd.s32 $0x3000, s11;
	[dreg:$0x9] =	wrdreg s16  }
0xe: {  	s29 =	simm.s32 $0x16800;
	s18 =	sadd.s32 $0x3800, s11;
	[dreg:$0xa] =	wrdreg s17  }
0xf: {  	s30 =	simm.s32 $0x17000;
	s19 =	sadd.s32 $0x4000, s11;
	[dreg:$0xb] =	wrdreg s18  }
0x10: {  	s1 =	ssub.s32 $0x2, s1;
	s20 =	sadd.s32 $0x4800, s11;
	[dreg:$0xc] =	wrdreg s19  }
0x11: {  	s24 =	sshrl.u32 s1, $0x1;
	s21 =	sadd.s32 $0x5000, s11;
	[dreg:$0xd] =	wrdreg s20  }
0x12: {  	s1 =	ssub.s32 s1, s24;
	s22 =	sadd.s32 $0x5800, s11;
	[dreg:$0xe] =	wrdreg s21  }
0x13: {  	s5 =	sadd.s32 $0x100, s2;
	s23 =	sadd.s32 $0x6000, s11;
	[dreg:$0xf] =	wrdreg s22  }
0x14: {  	s24 =	simm.s32 $0x4800;
	s25 =	sadd.s32 $0x6800, s11;
	[dreg:$0x10] =	wrdreg s23  }
0x15: {  	s26 =	sadd.s32 $0x7000, s11;
	s31 =	sadd.s32 $0x7800, s11;
	[dreg:$0x11] =	wrdreg s25  }
0x16: {  	s6 =	smax.u32 s1, $0x1;
	s11 =	simm.s32 $0x12800;
	[dreg:$0x12] =	wrdreg s26  }
0x17: {  	[dreg:$0x13] =	wrdreg s31;
	s18 =	simm.s32 $0x2;
	s19 =	simm.s32 $0x7  }
0x18: {  	s20 =	simm.s32 $0x3;
	s21 =	simm.s32 $0x8;
	s22 =	simm.s32 $0x4  }
0x19: {  	v2 =	vlaneseq.u32;
	s23 =	simm.s32 $0x9;
	s26 =	simm.s32 $0xA;
	s16 =	simm.s32 $0x800  }
0x1a: {  	vm0 =	vmmov $0xffff;
	v1 =	vshrl.u32 v2, $0x3;
	s25 =	simm.s32 $0xC800;
	s13 =	simm.s32 $0x10800;
	s14 =	simm.s32 $0x11800  }
0x1b: {  	v0 =	vand.u32 $0x7, v2;
	v2 =	vor.u32 $0x8, v2;
	v1 =	vmul.u32 $0x8, v1;
	s15 =	simm.s32 $0x12000;
	s12 =	simm.s32 $0x13000;
	s17 =	simm.s32 $0x14800  }
.LBB2_1:
0x1c: {  	s31 =	rddreg [dreg:$0x4];
	s8 =	simm.s32 $0xD  }
0x1d: {  	[tilespmem:s3], [sflag:$0xD] =	stream.linear.gather [hbm4b:s31+s3], $0x800, $0x38;
	[tilespmem:$0x18800] =	vst v63  }
0x1e: {  	_ =	swait.ge [sflag:s8], $0x800  }
0x1f: {  	[sflag:s8] =	ssyncset.done $0x0  }
0x20: {  	[sflag:s8] =	ssyncadd.s32 $0xFFFFF800  }
0x21: {  	v3 =	vld [tilespmem:$0x0];
	_ =	sdelay $0x4  }
0x22: {  	v4 =	vshll.u32 v3, $0x2  }
0x23: {  	v3 =	vand.u32 $0x7, v3;
	v4 =	vand.u32 $0xFFFFFFE0, v4  }
0x24: {  	v3 =	vor.u32 v3, v4  }
0x25: {  	v4 =	vperm.xlane v3, v0;
	_ =	sdelay $0x1  }
0x26: {  	v4 =	vadd.s32 v1, v4;
	_ =	sdelay $0x1  }
0x27: {  	v3 =	vperm.xlane v3, v2;
	_ =	sdelay $0x1  }
0x28: {  	v3 =	vadd.s32 v1, v3  }
0x29: {  	[tilespmem:s16], [sflag:$0x1] =	stream.indirect_vreg.gather [hbm4b:s2+s3], $0x80, v4, vm0, $0xb8;
	[tilespmem:$0x18800] =	vst v63  }
0x2a: {  	s0 =	simm.s32 $0x1000  }
0x2b: {  	[tilespmem:s0], [sflag:$0x1] =	stream.indirect_vreg.gather [hbm4b:s5+s3], $0x80, v4, vm0, $0xb8;
	[tilespmem:$0x18800] =	vst v63  }
0x2c: {  	s9 =	simm.s32 $0x1800  }
0x2d: {  	[tilespmem:s9], [sflag:$0x1] =	stream.indirect_vreg.gather [hbm4b:s2+s3], $0x80, v3, vm0, $0xb8;
	[tilespmem:$0x18800] =	vst v63  }
0x2e: {  	s10 =	simm.s32 $0x2000  }
0x2f: {  	[tilespmem:s10], [sflag:$0x1] =	stream.indirect_vreg.gather [hbm4b:s5+s3], $0x80, v3, vm0, $0xb8;
	[tilespmem:$0x18800] =	vst v63  }
0x30: {  	v3 =	vld [tilespmem:$0x10];
	_ =	sdelay $0x4  }
0x31: {  	v33 =	vshll.u32 v3, $0x2  }
0x32: {  	v3 =	vand.u32 $0x7, v3;
	v4 =	vand.u32 $0xFFFFFFE0, v33  }
0x33: {  	v3 =	vor.u32 v3, v4  }
0x34: {  	v4 =	vperm.xlane v3, v0;
	_ =	sdelay $0x1  }
0x35: {  	v4 =	vadd.s32 v1, v4;
	_ =	sdelay $0x1  }
0x36: {  	v3 =	vperm.xlane v3, v2;
	_ =	sdelay $0x1  }
0x37: {  	s31 =	simm.s32 $0x2800;
	v3 =	vadd.s32 v1, v3  }
0x38: {  	[tilespmem:s31], [sflag:$0x1] =	stream.indirect_vreg.gather [hbm4b:s2+s3], $0x80, v4, vm0, $0xb8;
	[tilespmem:$0x18800] =	vst v63  }
0x39: {  	s4 =	simm.s32 $0x3000  }
0x3a: {  	[tilespmem:s4], [sflag:$0x1] =	stream.indirect_vreg.gather [hbm4b:s5+s3], $0x80, v4, vm0, $0xb8;
	[tilespmem:$0x18800] =	vst v63  }
0x3b: {  	s8 =	simm.s32 $0x3800  }
0x3c: {  	[tilespmem:s8], [sflag:$0x1] =	stream.indirect_vreg.gather [hbm4b:s2+s3], $0x80, v3, vm0, $0xb8;
	[tilespmem:$0x18800] =	vst v63  }
0x3d: {  	s9 =	simm.s32 $0x4000  }
0x3e: {  	[tilespmem:s9], [sflag:$0x1] =	stream.indirect_vreg.gather [hbm4b:s5+s3], $0x80, v3, vm0, $0xb8;
	[tilespmem:$0x18800] =	vst v63  }
0x3f: {  	v3 =	vld [tilespmem:$0x80];
	_ =	sdelay $0x4  }
0x40: {  	v34 =	vshll.u32 v3, $0x2  }
0x41: {  	v3 =	vand.u32 $0x7, v3;
	v4 =	vand.u32 $0xFFFFFFE0, v34  }
0x42: {  	v3 =	vor.u32 v3, v4  }
0x43: {  	v4 =	vperm.xlane v3, v0;
	_ =	sdelay $0x1  }
0x44: {  	v4 =	vadd.s32 v1, v4;
	_ =	sdelay $0x1  }
0x45: {  	v3 =	vperm.xlane v3, v2;
	_ =	sdelay $0x1  }
0x46: {  	v3 =	vadd.s32 v1, v3  }
0x47: {  	[tilespmem:s24], [sflag:$0x2] =	stream.indirect_vreg.gather [hbm4b:s2+s3], $0x80, v4, vm0, $0xb8;
	[tilespmem:$0x18800] =	vst v63  }
0x48: {  	s10 =	simm.s32 $0x5000  }
0x49: {  	[tilespmem:s10], [sflag:$0x2] =	stream.indirect_vreg.gather [hbm4b:s5+s3], $0x80, v4, vm0, $0xb8;
	[tilespmem:$0x18800] =	vst v63  }
0x4a: {  	s31 =	simm.s32 $0x5800  }
0x4b: {  	[tilespmem:s31], [sflag:$0x2] =	stream.indirect_vreg.gather [hbm4b:s2+s3], $0x80, v3, vm0, $0xb8;
	[tilespmem:$0x18800] =	vst v63  }
0x4c: {  	s8 =	simm.s32 $0x6000  }
0x4d: {  	[tilespmem:s8], [sflag:$0x2] =	stream.indirect_vreg.gather [hbm4b:s5+s3], $0x80, v3, vm0, $0xb8;
	[tilespmem:$0x18800] =	vst v63  }
0x4e: {  	v3 =	vld [tilespmem:$0x90];
	_ =	sdelay $0x4  }
0x4f: {  	v35 =	vshll.u32 v3, $0x2  }
0x50: {  	v3 =	vand.u32 $0x7, v3;
	v4 =	vand.u32 $0xFFFFFFE0, v35  }
0x51: {  	v3 =	vor.u32 v3, v4  }
0x52: {  	v4 =	vperm.xlane v3, v0;
	_ =	sdelay $0x1  }
0x53: {  	v4 =	vadd.s32 v1, v4;
	_ =	sdelay $0x1  }
0x54: {  	v3 =	vperm.xlane v3, v2;
	_ =	sdelay $0x1  }
0x55: {  	s9 =	simm.s32 $0x6800;
	v3 =	vadd.s32 v1, v3  }
0x56: {  	[tilespmem:s9], [sflag:$0x2] =	stream.indirect_vreg.gather [hbm4b:s2+s3], $0x80, v4, vm0, $0xb8;
	[tilespmem:$0x18800] =	vst v63  }
0x57: {  	s10 =	simm.s32 $0x7000  }
0x58: {  	[tilespmem:s10], [sflag:$0x2] =	stream.indirect_vreg.gather [hbm4b:s5+s3], $0x80, v4, vm0, $0xb8;
	[tilespmem:$0x18800] =	vst v63  }
0x59: {  	s31 =	simm.s32 $0x7800  }
0x5a: {  	[tilespmem:s31], [sflag:$0x2] =	stream.indirect_vreg.gather [hbm4b:s2+s3], $0x80, v3, vm0, $0xb8;
	[tilespmem:$0x18800] =	vst v63  }
0x5b: {  	s8 =	simm.s32 $0x8000  }
0x5c: {  	[tilespmem:s8], [sflag:$0x2] =	stream.indirect_vreg.gather [hbm4b:s5+s3], $0x80, v3, vm0, $0xb8;
	[tilespmem:$0x18800] =	vst v63  }
0x5d: {  	v3 =	vld [tilespmem:$0x100];
	_ =	sdelay $0x4  }
0x5e: {  	v36 =	vshll.u32 v3, $0x2  }
0x5f: {  	v3 =	vand.u32 $0x7, v3;
	v4 =	vand.u32 $0xFFFFFFE0, v36  }
0x60: {  	v3 =	vor.u32 v3, v4  }
0x61: {  	v4 =	vperm.xlane v3, v0;
	_ =	sdelay $0x1  }
0x62: {  	v4 =	vadd.s32 v1, v4;
	_ =	sdelay $0x1  }
0x63: {  	v3 =	vperm.xlane v3, v2;
	_ =	sdelay $0x1  }
0x64: {  	v3 =	vadd.s32 v1, v3  }
0x65: {  	[tilespmem:s7], [sflag:$0x3] =	stream.indirect_vreg.gather [hbm4b:s2+s3], $0x80, v4, vm0, $0xb8;
	[tilespmem:$0x18800] =	vst v63  }
0x66: {  	s9 =	simm.s32 $0x9000  }
0x67: {  	[tilespmem:s9], [sflag:$0x3] =	stream.indirect_vreg.gather [hbm4b:s5+s3], $0x80, v4, vm0, $0xb8;
	[tilespmem:$0x18800] =	vst v63  }
0x68: {  	s10 =	simm.s32 $0x9800  }
0x69: {  	[tilespmem:s10], [sflag:$0x3] =	stream.indirect_vreg.gather [hbm4b:s2+s3], $0x80, v3, vm0, $0xb8;
	[tilespmem:$0x18800] =	vst v63  }
0x6a: {  	s31 =	simm.s32 $0xA000  }
0x6b: {  	[tilespmem:s31], [sflag:$0x3] =	stream.indirect_vreg.gather [hbm4b:s5+s3], $0x80, v3, vm0, $0xb8;
	[tilespmem:$0x18800] =	vst v63  }
0x6c: {  	v3 =	vld [tilespmem:$0x110];
	_ =	sdelay $0x4  }
0x6d: {  	v37 =	vshll.u32 v3, $0x2  }
0x6e: {  	v3 =	vand.u32 $0x7, v3;
	v4 =	vand.u32 $0xFFFFFFE0, v37  }
0x6f: {  	v3 =	vor.u32 v3, v4  }
0x70: {  	v4 =	vperm.xlane v3, v0;
	_ =	sdelay $0x1  }
0x71: {  	v4 =	vadd.s32 v1, v4;
	_ =	sdelay $0x1  }
0x72: {  	v3 =	vperm.xlane v3, v2;
	_ =	sdelay $0x1  }
0x73: {  	s8 =	simm.s32 $0xA800;
	v3 =	vadd.s32 v1, v3  }
0x74: {  	[tilespmem:s8], [sflag:$0x3] =	stream.indirect_vreg.gather [hbm4b:s2+s3], $0x80, v4, vm0, $0xb8;
	[tilespmem:$0x18800] =	vst v63  }
0x75: {  	s9 =	simm.s32 $0xB000  }
0x76: {  	[tilespmem:s9], [sflag:$0x3] =	stream.indirect_vreg.gather [hbm4b:s5+s3], $0x80, v4, vm0, $0xb8;
	[tilespmem:$0x18800] =	vst v63  }
0x77: {  	s10 =	simm.s32 $0xB800  }
0x78: {  	[tilespmem:s10], [sflag:$0x3] =	stream.indirect_vreg.gather [hbm4b:s2+s3], $0x80, v3, vm0, $0xb8;
	[tilespmem:$0x18800] =	vst v63  }
0x79: {  	s31 =	simm.s32 $0xC000  }
0x7a: {  	[tilespmem:s31], [sflag:$0x3] =	stream.indirect_vreg.gather [hbm4b:s5+s3], $0x80, v3, vm0, $0xb8;
	[tilespmem:$0x18800] =	vst v63  }
0x7b: {  	v3 =	vld [tilespmem:$0x180];
	_ =	sdelay $0x4  }
0x7c: {  	v38 =	vshll.u32 v3, $0x2  }
0x7d: {  	v3 =	vand.u32 $0x7, v3;
	v4 =	vand.u32 $0xFFFFFFE0, v38  }
0x7e: {  	v3 =	vor.u32 v3, v4  }
0x7f: {  	v4 =	vperm.xlane v3, v0;
	_ =	sdelay $0x1  }
0x80: {  	v4 =	vadd.s32 v1, v4;
	_ =	sdelay $0x1  }
0x81: {  	v3 =	vperm.xlane v3, v2;
	_ =	sdelay $0x1  }
0x82: {  	v3 =	vadd.s32 v1, v3  }
0x83: {  	[tilespmem:s25], [sflag:$0x4] =	stream.indirect_vreg.gather [hbm4b:s2+s3], $0x80, v4, vm0, $0xb8;
	[tilespmem:$0x18800] =	vst v63  }
0x84: {  	s8 =	simm.s32 $0xD000  }
0x85: {  	[tilespmem:s8], [sflag:$0x4] =	stream.indirect_vreg.gather [hbm4b:s5+s3], $0x80, v4, vm0, $0xb8;
	[tilespmem:$0x18800] =	vst v63  }
0x86: {  	s9 =	simm.s32 $0xD800  }
0x87: {  	[tilespmem:s9], [sflag:$0x4] =	stream.indirect_vreg.gather [hbm4b:s2+s3], $0x80, v3, vm0, $0xb8;
	[tilespmem:$0x18800] =	vst v63  }
0x88: {  	s10 =	simm.s32 $0xE000  }
0x89: {  	[tilespmem:s10], [sflag:$0x4] =	stream.indirect_vreg.gather [hbm4b:s5+s3], $0x80, v3, vm0, $0xb8;
	[tilespmem:$0x18800] =	vst v63  }
0x8a: {  	v3 =	vld [tilespmem:$0x190];
	_ =	sdelay $0x4  }
0x8b: {  	v39 =	vshll.u32 v3, $0x2  }
0x8c: {  	v3 =	vand.u32 $0x7, v3;
	v4 =	vand.u32 $0xFFFFFFE0, v39  }
0x8d: {  	v3 =	vor.u32 v3, v4  }
0x8e: {  	v4 =	vperm.xlane v3, v0;
	_ =	sdelay $0x1  }
0x8f: {  	v4 =	vadd.s32 v1, v4;
	_ =	sdelay $0x1  }
0x90: {  	v3 =	vperm.xlane v3, v2;
	_ =	sdelay $0x1  }
0x91: {  	s31 =	simm.s32 $0xE800;
	v3 =	vadd.s32 v1, v3  }
0x92: {  	[tilespmem:s31], [sflag:$0x4] =	stream.indirect_vreg.gather [hbm4b:s2+s3], $0x80, v4, vm0, $0xb8;
	[tilespmem:$0x18800] =	vst v63  }
0x93: {  	s8 =	simm.s32 $0xF000  }
0x94: {  	[tilespmem:s8], [sflag:$0x4] =	stream.indirect_vreg.gather [hbm4b:s5+s3], $0x80, v4, vm0, $0xb8;
	[tilespmem:$0x18800] =	vst v63  }
0x95: {  	s9 =	simm.s32 $0xF800  }
0x96: {  	[tilespmem:s9], [sflag:$0x4] =	stream.indirect_vreg.gather [hbm4b:s2+s3], $0x80, v3, vm0, $0xb8;
	[tilespmem:$0x18800] =	vst v63  }
0x97: {  	s10 =	simm.s32 $0x10000  }
0x98: {  	[tilespmem:s10], [sflag:$0x4] =	stream.indirect_vreg.gather [hbm4b:s5+s3], $0x80, v3, vm0, $0xb8;
	[tilespmem:$0x18800] =	vst v63  }
0x99: {  	v3 =	vld [tilespmem:$0x200];
	_ =	sdelay $0x4  }
0x9a: {  	v40 =	vshll.u32 v3, $0x2  }
0x9b: {  	v3 =	vand.u32 $0x7, v3;
	v4 =	vand.u32 $0xFFFFFFE0, v40  }
0x9c: {  	v3 =	vor.u32 v3, v4  }
0x9d: {  	v4 =	vperm.xlane v3, v0;
	_ =	sdelay $0x1  }
0x9e: {  	v4 =	vadd.s32 v1, v4;
	_ =	sdelay $0x1  }
0x9f: {  	v3 =	vperm.xlane v3, v2;
	_ =	sdelay $0x1  }
0xa0: {  	v3 =	vadd.s32 v1, v3  }
0xa1: {  	[tilespmem:s13], [sflag:$0x5] =	stream.indirect_vreg.gather [hbm4b:s2+s3], $0x80, v4, vm0, $0xb8;
	[tilespmem:$0x18800] =	vst v63  }
0xa2: {  	s8 =	simm.s32 $0x11000  }
0xa3: {  	[tilespmem:s8], [sflag:$0x5] =	stream.indirect_vreg.gather [hbm4b:s5+s3], $0x80, v4, vm0, $0xb8;
	[tilespmem:$0x18800] =	vst v63  }
0xa4: {  	_ = 	snop  }
0xa5: {  	[tilespmem:s14], [sflag:$0x5] =	stream.indirect_vreg.gather [hbm4b:s2+s3], $0x80, v3, vm0, $0xb8;
	[tilespmem:$0x18800] =	vst v63  }
0xa6: {  	_ = 	snop  }
0xa7: {  	[tilespmem:s15], [sflag:$0x5] =	stream.indirect_vreg.gather [hbm4b:s5+s3], $0x80, v3, vm0, $0xb8;
	[tilespmem:$0x18800] =	vst v63  }
0xa8: {  	v3 =	vld [tilespmem:$0x210];
	_ =	sdelay $0x4  }
0xa9: {  	v41 =	vshll.u32 v3, $0x2  }
0xaa: {  	v3 =	vand.u32 $0x7, v3;
	v4 =	vand.u32 $0xFFFFFFE0, v41  }
0xab: {  	v3 =	vor.u32 v3, v4  }
0xac: {  	v4 =	vperm.xlane v3, v0;
	_ =	sdelay $0x1  }
0xad: {  	v4 =	vadd.s32 v1, v4;
	_ =	sdelay $0x1  }
0xae: {  	v3 =	vperm.xlane v3, v2;
	_ =	sdelay $0x1  }
0xaf: {  	v3 =	vadd.s32 v1, v3  }
0xb0: {  	[tilespmem:s11], [sflag:$0x5] =	stream.indirect_vreg.gather [hbm4b:s2+s3], $0x80, v4, vm0, $0xb8;
	[tilespmem:$0x18800] =	vst v63  }
0xb1: {  	_ = 	snop  }
0xb2: {  	[tilespmem:s12], [sflag:$0x5] =	stream.indirect_vreg.gather [hbm4b:s5+s3], $0x80, v4, vm0, $0xb8;
	[tilespmem:$0x18800] =	vst v63  }
0xb3: {  	s9 =	simm.s32 $0x13800  }
0xb4: {  	[tilespmem:s9], [sflag:$0x5] =	stream.indirect_vreg.gather [hbm4b:s2+s3], $0x80, v3, vm0, $0xb8;
	[tilespmem:$0x18800] =	vst v63  }
0xb5: {  	s10 =	simm.s32 $0x14000  }
0xb6: {  	[tilespmem:s10], [sflag:$0x5] =	stream.indirect_vreg.gather [hbm4b:s5+s3], $0x80, v3, vm0, $0xb8;
	[tilespmem:$0x18800] =	vst v63  }
0xb7: {  	v3 =	vld [tilespmem:$0x280];
	_ =	sdelay $0x4  }
0xb8: {  	v42 =	vshll.u32 v3, $0x2  }
0xb9: {  	v3 =	vand.u32 $0x7, v3;
	v4 =	vand.u32 $0xFFFFFFE0, v42  }
0xba: {  	v3 =	vor.u32 v3, v4  }
0xbb: {  	v4 =	vperm.xlane v3, v0;
	_ =	sdelay $0x1  }
0xbc: {  	v4 =	vadd.s32 v1, v4;
	_ =	sdelay $0x1  }
0xbd: {  	v3 =	vperm.xlane v3, v2;
	_ =	sdelay $0x1  }
0xbe: {  	s31 =	simm.s32 $0x14800;
	v3 =	vadd.s32 v1, v3  }
0xbf: {  	[tilespmem:s31], [sflag:$0x6] =	stream.indirect_vreg.gather [hbm4b:s2+s3], $0x80, v4, vm0, $0xb8;
	[tilespmem:$0x18800] =	vst v63  }
0xc0: {  	s31 =	simm.s32 $0x15000  }
0xc1: {  	[tilespmem:s31], [sflag:$0x6] =	stream.indirect_vreg.gather [hbm4b:s5+s3], $0x80, v4, vm0, $0xb8;
	[tilespmem:$0x18800] =	vst v63  }
0xc2: {  	s31 =	simm.s32 $0x15800  }
0xc3: {  	[tilespmem:s31], [sflag:$0x6] =	stream.indirect_vreg.gather [hbm4b:s2+s3], $0x80, v3, vm0, $0xb8;
	[tilespmem:$0x18800] =	vst v63  }
0xc4: {  	s31 =	simm.s32 $0x16000  }
0xc5: {  	[tilespmem:s31], [sflag:$0x6] =	stream.indirect_vreg.gather [hbm4b:s5+s3], $0x80, v3, vm0, $0xb8;
	[tilespmem:$0x18800] =	vst v63  }
0xc6: {  	v3 =	vld [tilespmem:$0x290];
	_ =	sdelay $0x4  }
0xc7: {  	v43 =	vshll.u32 v3, $0x2  }
0xc8: {  	v3 =	vand.u32 $0x7, v3;
	v4 =	vand.u32 $0xFFFFFFE0, v43  }
0xc9: {  	v3 =	vor.u32 v3, v4  }
0xca: {  	v4 =	vperm.xlane v3, v0;
	_ =	sdelay $0x1  }
0xcb: {  	v4 =	vadd.s32 v1, v4;
	_ =	sdelay $0x1  }
0xcc: {  	v3 =	vperm.xlane v3, v2;
	_ =	sdelay $0x1  }
0xcd: {  	v3 =	vadd.s32 v1, v3  }
0xce: {  	[tilespmem:s29], [sflag:$0x6] =	stream.indirect_vreg.gather [hbm4b:s2+s3], $0x80, v4, vm0, $0xb8;
	[tilespmem:$0x18800] =	vst v63  }
0xcf: {  	_ = 	snop  }
0xd0: {  	[tilespmem:s30], [sflag:$0x6] =	stream.indirect_vreg.gather [hbm4b:s5+s3], $0x80, v4, vm0, $0xb8;
	[tilespmem:$0x18800] =	vst v63  }
0xd1: {  	s31 =	simm.s32 $0x17800  }
0xd2: {  	[tilespmem:s31], [sflag:$0x6] =	stream.indirect_vreg.gather [hbm4b:s2+s3], $0x80, v3, vm0, $0xb8;
	[tilespmem:$0x18800] =	vst v63  }
0xd3: {  	s31 =	simm.s32 $0x18000  }
0xd4: {  	[tilespmem:s31], [sflag:$0x6] =	stream.indirect_vreg.gather [hbm4b:s5+s3], $0x80, v3, vm0, $0xb8;
	[tilespmem:$0x18800] =	vst v63  }
0xd5: {  	_ =	swait.ge [sflag:s28], $0x4000  }
0xd6: {  	[sflag:s28] =	ssyncset.done $0x0  }
0xd7: {  	s0 =	rddreg [dreg:$0x14];
	[sflag:s28] =	ssyncadd.s32 $0xFFFFC000  }
0xd8: {  	[hbm4b:s0+s3] =	stream.linear.scatter [tilespmem:s16], [sflag:$0x7], $0x4000, $0x38;
	[tilespmem:$0x18800] =	vst v63  }
0xd9: {  	_ =	swait.ge [sflag:s18], $0x4000  }
0xda: {  	[sflag:s18] =	ssyncset.done $0x0  }
0xdb: {  	s0 =	rddreg [dreg:$0x5];
	[sflag:s18] =	ssyncadd.s32 $0xFFFFC000  }
0xdc: {  	[hbm4b:s0+s3] =	stream.linear.scatter [tilespmem:s24], [sflag:$0x8], $0x4000, $0x38;
	[tilespmem:$0x18800] =	vst v63  }
0xdd: {  	_ =	swait.ge [sflag:s19], $0x4000  }
0xde: {  	[sflag:s19] =	ssyncset.done $0x0  }
0xdf: {  	[sflag:s19] =	ssyncadd.s32 $0xFFFFC000  }
0xe0: {  	v3 =	vld [tilespmem:$0x300];
	_ =	sdelay $0x4  }
0xe1: {  	v44 =	vshll.u32 v3, $0x2  }
0xe2: {  	v3 =	vand.u32 $0x7, v3;
	v4 =	vand.u32 $0xFFFFFFE0, v44  }
0xe3: {  	v3 =	vor.u32 v3, v4  }
0xe4: {  	v4 =	vperm.xlane v3, v0;
	_ =	sdelay $0x1  }
0xe5: {  	v4 =	vadd.s32 v1, v4;
	_ =	sdelay $0x1  }
0xe6: {  	v3 =	vperm.xlane v3, v2;
	_ =	sdelay $0x1  }
0xe7: {  	v3 =	vadd.s32 v1, v3  }
0xe8: {  	[tilespmem:s16], [sflag:$0x1] =	stream.indirect_vreg.gather [hbm4b:s2+s3], $0x80, v4, vm0, $0xb8;
	[tilespmem:$0x18800] =	vst v63  }
0xe9: {  	s31 =	simm.s32 $0x1000  }
0xea: {  	[tilespmem:s31], [sflag:$0x1] =	stream.indirect_vreg.gather [hbm4b:s5+s3], $0x80, v4, vm0, $0xb8;
	[tilespmem:$0x18800] =	vst v63  }
0xeb: {  	s31 =	simm.s32 $0x1800  }
0xec: {  	[tilespmem:s31], [sflag:$0x1] =	stream.indirect_vreg.gather [hbm4b:s2+s3], $0x80, v3, vm0, $0xb8;
	[tilespmem:$0x18800] =	vst v63  }
0xed: {  	s1 =	simm.s32 $0x2000  }
0xee: {  	[tilespmem:s1], [sflag:$0x1] =	stream.indirect_vreg.gather [hbm4b:s5+s3], $0x80, v3, vm0, $0xb8;
	[tilespmem:$0x18800] =	vst v63  }
0xef: {  	v3 =	vld [tilespmem:$0x310];
	_ =	sdelay $0x4  }
0xf0: {  	v45 =	vshll.u32 v3, $0x2  }
0xf1: {  	v3 =	vand.u32 $0x7, v3;
	v4 =	vand.u32 $0xFFFFFFE0, v45  }
0xf2: {  	v3 =	vor.u32 v3, v4  }
0xf3: {  	v4 =	vperm.xlane v3, v0;
	_ =	sdelay $0x1  }
0xf4: {  	v4 =	vadd.s32 v1, v4;
	_ =	sdelay $0x1  }
0xf5: {  	v3 =	vperm.xlane v3, v2;
	_ =	sdelay $0x1  }
0xf6: {  	s1 =	simm.s32 $0x2800;
	v3 =	vadd.s32 v1, v3  }
0xf7: {  	[tilespmem:s1], [sflag:$0x1] =	stream.indirect_vreg.gather [hbm4b:s2+s3], $0x80, v4, vm0, $0xb8;
	[tilespmem:$0x18800] =	vst v63  }
0xf8: {  	s31 =	simm.s32 $0x3000  }
0xf9: {  	[tilespmem:s31], [sflag:$0x1] =	stream.indirect_vreg.gather [hbm4b:s5+s3], $0x80, v4, vm0, $0xb8;
	[tilespmem:$0x18800] =	vst v63  }
0xfa: {  	s1 =	simm.s32 $0x3800  }
0xfb: {  	[tilespmem:s1], [sflag:$0x1] =	stream.indirect_vreg.gather [hbm4b:s2+s3], $0x80, v3, vm0, $0xb8;
	[tilespmem:$0x18800] =	vst v63  }
0xfc: {  	s4 =	simm.s32 $0x4000  }
0xfd: {  	[tilespmem:s4], [sflag:$0x1] =	stream.indirect_vreg.gather [hbm4b:s5+s3], $0x80, v3, vm0, $0xb8;
	[tilespmem:$0x18800] =	vst v63  }
0xfe: {  	_ =	swait.ge [sflag:s20], $0x4000  }
0xff: {  	[sflag:s20] =	ssyncset.done $0x0  }
0x100: {  	s4 =	rddreg [dreg:$0x6];
	[sflag:s20] =	ssyncadd.s32 $0xFFFFC000  }
0x101: {  	[hbm4b:s4+s3] =	stream.linear.scatter [tilespmem:s7], [sflag:$0x9], $0x4000, $0x38;
	[tilespmem:$0x18800] =	vst v63  }
0x102: {  	_ =	swait.ge [sflag:s21], $0x4000  }
0x103: {  	[sflag:s21] =	ssyncset.done $0x0  }
0x104: {  	[sflag:s21] =	ssyncadd.s32 $0xFFFFC000  }
0x105: {  	v3 =	vld [tilespmem:$0x380];
	_ =	sdelay $0x4  }
0x106: {  	v46 =	vshll.u32 v3, $0x2  }
0x107: {  	v3 =	vand.u32 $0x7, v3;
	v4 =	vand.u32 $0xFFFFFFE0, v46  }
0x108: {  	v3 =	vor.u32 v3, v4  }
0x109: {  	v4 =	vperm.xlane v3, v0;
	_ =	sdelay $0x1  }
0x10a: {  	v4 =	vadd.s32 v1, v4;
	_ =	sdelay $0x1  }
0x10b: {  	v3 =	vperm.xlane v3, v2;
	_ =	sdelay $0x1  }
0x10c: {  	v3 =	vadd.s32 v1, v3  }
0x10d: {  	[tilespmem:s24], [sflag:$0x2] =	stream.indirect_vreg.gather [hbm4b:s2+s3], $0x80, v4, vm0, $0xb8;
	[tilespmem:$0x18800] =	vst v63  }
0x10e: {  	s31 =	simm.s32 $0x5000  }
0x10f: {  	[tilespmem:s31], [sflag:$0x2] =	stream.indirect_vreg.gather [hbm4b:s5+s3], $0x80, v4, vm0, $0xb8;
	[tilespmem:$0x18800] =	vst v63  }
0x110: {  	s1 =	simm.s32 $0x5800  }
0x111: {  	[tilespmem:s1], [sflag:$0x2] =	stream.indirect_vreg.gather [hbm4b:s2+s3], $0x80, v3, vm0, $0xb8;
	[tilespmem:$0x18800] =	vst v63  }
0x112: {  	s4 =	simm.s32 $0x6000  }
0x113: {  	[tilespmem:s4], [sflag:$0x2] =	stream.indirect_vreg.gather [hbm4b:s5+s3], $0x80, v3, vm0, $0xb8;
	[tilespmem:$0x18800] =	vst v63  }
0x114: {  	v3 =	vld [tilespmem:$0x390];
	_ =	sdelay $0x4  }
0x115: {  	v47 =	vshll.u32 v3, $0x2  }
0x116: {  	v3 =	vand.u32 $0x7, v3;
	v4 =	vand.u32 $0xFFFFFFE0, v47  }
0x117: {  	v3 =	vor.u32 v3, v4  }
0x118: {  	v4 =	vperm.xlane v3, v0;
	_ =	sdelay $0x1  }
0x119: {  	v4 =	vadd.s32 v1, v4;
	_ =	sdelay $0x1  }
0x11a: {  	v3 =	vperm.xlane v3, v2;
	_ =	sdelay $0x1  }
0x11b: {  	s31 =	simm.s32 $0x6800;
	v3 =	vadd.s32 v1, v3  }
0x11c: {  	[tilespmem:s31], [sflag:$0x2] =	stream.indirect_vreg.gather [hbm4b:s2+s3], $0x80, v4, vm0, $0xb8;
	[tilespmem:$0x18800] =	vst v63  }
0x11d: {  	s1 =	simm.s32 $0x7000  }
0x11e: {  	[tilespmem:s1], [sflag:$0x2] =	stream.indirect_vreg.gather [hbm4b:s5+s3], $0x80, v4, vm0, $0xb8;
	[tilespmem:$0x18800] =	vst v63  }
0x11f: {  	s4 =	simm.s32 $0x7800  }
0x120: {  	[tilespmem:s4], [sflag:$0x2] =	stream.indirect_vreg.gather [hbm4b:s2+s3], $0x80, v3, vm0, $0xb8;
	[tilespmem:$0x18800] =	vst v63  }
0x121: {  	s31 =	simm.s32 $0x8000  }
0x122: {  	[tilespmem:s31], [sflag:$0x2] =	stream.indirect_vreg.gather [hbm4b:s5+s3], $0x80, v3, vm0, $0xb8;
	[tilespmem:$0x18800] =	vst v63  }
0x123: {  	_ =	swait.ge [sflag:s22], $0x4000  }
0x124: {  	[sflag:s22] =	ssyncset.done $0x0  }
0x125: {  	s0 =	rddreg [dreg:$0x7];
	[sflag:s22] =	ssyncadd.s32 $0xFFFFC000  }
0x126: {  	[hbm4b:s0+s3] =	stream.linear.scatter [tilespmem:s25], [sflag:$0xA], $0x4000, $0x38;
	[tilespmem:$0x18800] =	vst v63  }
0x127: {  	_ =	swait.ge [sflag:s23], $0x4000  }
0x128: {  	[sflag:s23] =	ssyncset.done $0x0  }
0x129: {  	[sflag:s23] =	ssyncadd.s32 $0xFFFFC000  }
0x12a: {  	v3 =	vld [tilespmem:$0x400];
	_ =	sdelay $0x4  }
0x12b: {  	v48 =	vshll.u32 v3, $0x2  }
0x12c: {  	v3 =	vand.u32 $0x7, v3;
	v4 =	vand.u32 $0xFFFFFFE0, v48  }
0x12d: {  	v3 =	vor.u32 v3, v4  }
0x12e: {  	v4 =	vperm.xlane v3, v0;
	_ =	sdelay $0x1  }
0x12f: {  	v4 =	vadd.s32 v1, v4;
	_ =	sdelay $0x1  }
0x130: {  	v3 =	vperm.xlane v3, v2;
	_ =	sdelay $0x1  }
0x131: {  	v3 =	vadd.s32 v1, v3  }
0x132: {  	[tilespmem:s7], [sflag:$0x3] =	stream.indirect_vreg.gather [hbm4b:s2+s3], $0x80, v4, vm0, $0xb8;
	[tilespmem:$0x18800] =	vst v63  }
0x133: {  	s1 =	simm.s32 $0x9000  }
0x134: {  	[tilespmem:s1], [sflag:$0x3] =	stream.indirect_vreg.gather [hbm4b:s5+s3], $0x80, v4, vm0, $0xb8;
	[tilespmem:$0x18800] =	vst v63  }
0x135: {  	s4 =	simm.s32 $0x9800  }
0x136: {  	[tilespmem:s4], [sflag:$0x3] =	stream.indirect_vreg.gather [hbm4b:s2+s3], $0x80, v3, vm0, $0xb8;
	[tilespmem:$0x18800] =	vst v63  }
0x137: {  	s31 =	simm.s32 $0xA000  }
0x138: {  	[tilespmem:s31], [sflag:$0x3] =	stream.indirect_vreg.gather [hbm4b:s5+s3], $0x80, v3, vm0, $0xb8;
	[tilespmem:$0x18800] =	vst v63  }
0x139: {  	v3 =	vld [tilespmem:$0x410];
	_ =	sdelay $0x4  }
0x13a: {  	v49 =	vshll.u32 v3, $0x2  }
0x13b: {  	v3 =	vand.u32 $0x7, v3;
	v4 =	vand.u32 $0xFFFFFFE0, v49  }
0x13c: {  	v3 =	vor.u32 v3, v4  }
0x13d: {  	v4 =	vperm.xlane v3, v0;
	_ =	sdelay $0x1  }
0x13e: {  	v4 =	vadd.s32 v1, v4;
	_ =	sdelay $0x1  }
0x13f: {  	v3 =	vperm.xlane v3, v2;
	_ =	sdelay $0x1  }
0x140: {  	s1 =	simm.s32 $0xA800;
	v3 =	vadd.s32 v1, v3  }
0x141: {  	[tilespmem:s1], [sflag:$0x3] =	stream.indirect_vreg.gather [hbm4b:s2+s3], $0x80, v4, vm0, $0xb8;
	[tilespmem:$0x18800] =	vst v63  }
0x142: {  	s4 =	simm.s32 $0xB000  }
0x143: {  	[tilespmem:s4], [sflag:$0x3] =	stream.indirect_vreg.gather [hbm4b:s5+s3], $0x80, v4, vm0, $0xb8;
	[tilespmem:$0x18800] =	vst v63  }
0x144: {  	s31 =	simm.s32 $0xB800  }
0x145: {  	[tilespmem:s31], [sflag:$0x3] =	stream.indirect_vreg.gather [hbm4b:s2+s3], $0x80, v3, vm0, $0xb8;
	[tilespmem:$0x18800] =	vst v63  }
0x146: {  	s0 =	simm.s32 $0x5;
	s1 =	simm.s32 $0xC000  }
0x147: {  	[tilespmem:s1], [sflag:$0x3] =	stream.indirect_vreg.gather [hbm4b:s5+s3], $0x80, v3, vm0, $0xb8;
	[tilespmem:$0x18800] =	vst v63  }
0x148: {  	_ =	swait.ge [sflag:s0], $0x4000  }
0x149: {  	[sflag:s0] =	ssyncset.done $0x0  }
0x14a: {  	s4 =	rddreg [dreg:$0x8];
	[sflag:s0] =	ssyncadd.s32 $0xFFFFC000  }
0x14b: {  	[hbm4b:s4+s3] =	stream.linear.scatter [tilespmem:s13], [sflag:$0xB], $0x4000, $0x38;
	[tilespmem:$0x18800] =	vst v63  }
0x14c: {  	_ =	swait.ge [sflag:s26], $0x4000  }
0x14d: {  	[sflag:s26] =	ssyncset.done $0x0  }
0x14e: {  	[sflag:s26] =	ssyncadd.s32 $0xFFFFC000  }
0x14f: {  	v3 =	vld [tilespmem:$0x480];
	_ =	sdelay $0x4  }
0x150: {  	v50 =	vshll.u32 v3, $0x2  }
0x151: {  	v3 =	vand.u32 $0x7, v3;
	v4 =	vand.u32 $0xFFFFFFE0, v50  }
0x152: {  	v3 =	vor.u32 v3, v4  }
0x153: {  	v4 =	vperm.xlane v3, v0;
	_ =	sdelay $0x1  }
0x154: {  	v4 =	vadd.s32 v1, v4;
	_ =	sdelay $0x1  }
0x155: {  	v3 =	vperm.xlane v3, v2;
	_ =	sdelay $0x1  }
0x156: {  	v3 =	vadd.s32 v1, v3  }
0x157: {  	[tilespmem:s25], [sflag:$0x4] =	stream.indirect_vreg.gather [hbm4b:s2+s3], $0x80, v4, vm0, $0xb8;
	[tilespmem:$0x18800] =	vst v63  }
0x158: {  	s1 =	simm.s32 $0xD000  }
0x159: {  	[tilespmem:s1], [sflag:$0x4] =	stream.indirect_vreg.gather [hbm4b:s5+s3], $0x80, v4, vm0, $0xb8;
	[tilespmem:$0x18800] =	vst v63  }
0x15a: {  	s4 =	simm.s32 $0xD800  }
0x15b: {  	[tilespmem:s4], [sflag:$0x4] =	stream.indirect_vreg.gather [hbm4b:s2+s3], $0x80, v3, vm0, $0xb8;
	[tilespmem:$0x18800] =	vst v63  }
0x15c: {  	s31 =	simm.s32 $0xE000  }
0x15d: {  	[tilespmem:s31], [sflag:$0x4] =	stream.indirect_vreg.gather [hbm4b:s5+s3], $0x80, v3, vm0, $0xb8;
	[tilespmem:$0x18800] =	vst v63  }
0x15e: {  	v3 =	vld [tilespmem:$0x490];
	_ =	sdelay $0x4  }
0x15f: {  	v51 =	vshll.u32 v3, $0x2  }
0x160: {  	v3 =	vand.u32 $0x7, v3;
	v4 =	vand.u32 $0xFFFFFFE0, v51  }
0x161: {  	v3 =	vor.u32 v3, v4  }
0x162: {  	v4 =	vperm.xlane v3, v0;
	_ =	sdelay $0x1  }
0x163: {  	v4 =	vadd.s32 v1, v4;
	_ =	sdelay $0x1  }
0x164: {  	v3 =	vperm.xlane v3, v2;
	_ =	sdelay $0x1  }
0x165: {  	s4 =	simm.s32 $0xE800;
	v3 =	vadd.s32 v1, v3  }
0x166: {  	[tilespmem:s4], [sflag:$0x4] =	stream.indirect_vreg.gather [hbm4b:s2+s3], $0x80, v4, vm0, $0xb8;
	[tilespmem:$0x18800] =	vst v63  }
0x167: {  	s31 =	simm.s32 $0xF000  }
0x168: {  	[tilespmem:s31], [sflag:$0x4] =	stream.indirect_vreg.gather [hbm4b:s5+s3], $0x80, v4, vm0, $0xb8;
	[tilespmem:$0x18800] =	vst v63  }
0x169: {  	s4 =	simm.s32 $0xF800  }
0x16a: {  	[tilespmem:s4], [sflag:$0x4] =	stream.indirect_vreg.gather [hbm4b:s2+s3], $0x80, v3, vm0, $0xb8;
	[tilespmem:$0x18800] =	vst v63  }
0x16b: {  	s1 =	simm.s32 $0x6;
	s31 =	simm.s32 $0x10000  }
0x16c: {  	[tilespmem:s31], [sflag:$0x4] =	stream.indirect_vreg.gather [hbm4b:s5+s3], $0x80, v3, vm0, $0xb8;
	[tilespmem:$0x18800] =	vst v63  }
0x16d: {  	_ =	swait.ge [sflag:s1], $0x4000  }
0x16e: {  	[sflag:s1] =	ssyncset.done $0x0  }
0x16f: {  	s4 =	rddreg [dreg:$0x9];
	[sflag:s1] =	ssyncadd.s32 $0xFFFFC000  }
0x170: {  	[hbm4b:s4+s3] =	stream.linear.scatter [tilespmem:s17], [sflag:$0xC], $0x4000, $0x38;
	[tilespmem:$0x18800] =	vst v63  }
0x171: {  	s4 =	simm.s32 $0xB  }
0x172: {  	_ =	swait.ge [sflag:s4], $0x4000  }
0x173: {  	[sflag:s4] =	ssyncset.done $0x0  }
0x174: {  	[sflag:s4] =	ssyncadd.s32 $0xFFFFC000  }
0x175: {  	v3 =	vld [tilespmem:$0x500];
	_ =	sdelay $0x4  }
0x176: {  	v52 =	vshll.u32 v3, $0x2  }
0x177: {  	v3 =	vand.u32 $0x7, v3;
	v4 =	vand.u32 $0xFFFFFFE0, v52  }
0x178: {  	v3 =	vor.u32 v3, v4  }
0x179: {  	v4 =	vperm.xlane v3, v0;
	_ =	sdelay $0x1  }
0x17a: {  	v4 =	vadd.s32 v1, v4;
	_ =	sdelay $0x1  }
0x17b: {  	v3 =	vperm.xlane v3, v2;
	_ =	sdelay $0x1  }
0x17c: {  	v3 =	vadd.s32 v1, v3  }
0x17d: {  	[tilespmem:s13], [sflag:$0x5] =	stream.indirect_vreg.gather [hbm4b:s2+s3], $0x80, v4, vm0, $0xb8;
	[tilespmem:$0x18800] =	vst v63  }
0x17e: {  	_ = 	snop  }
0x17f: {  	[tilespmem:s8], [sflag:$0x5] =	stream.indirect_vreg.gather [hbm4b:s5+s3], $0x80, v4, vm0, $0xb8;
	[tilespmem:$0x18800] =	vst v63  }
0x180: {  	_ = 	snop  }
0x181: {  	[tilespmem:s14], [sflag:$0x5] =	stream.indirect_vreg.gather [hbm4b:s2+s3], $0x80, v3, vm0, $0xb8;
	[tilespmem:$0x18800] =	vst v63  }
0x182: {  	_ = 	snop  }
0x183: {  	[tilespmem:s15], [sflag:$0x5] =	stream.indirect_vreg.gather [hbm4b:s5+s3], $0x80, v3, vm0, $0xb8;
	[tilespmem:$0x18800] =	vst v63  }
0x184: {  	v3 =	vld [tilespmem:$0x510];
	_ =	sdelay $0x4  }
0x185: {  	v53 =	vshll.u32 v3, $0x2  }
0x186: {  	v3 =	vand.u32 $0x7, v3;
	v4 =	vand.u32 $0xFFFFFFE0, v53  }
0x187: {  	v3 =	vor.u32 v3, v4  }
0x188: {  	v4 =	vperm.xlane v3, v0;
	_ =	sdelay $0x1  }
0x189: {  	v4 =	vadd.s32 v1, v4;
	_ =	sdelay $0x1  }
0x18a: {  	v3 =	vperm.xlane v3, v2;
	_ =	sdelay $0x1  }
0x18b: {  	v3 =	vadd.s32 v1, v3  }
0x18c: {  	[tilespmem:s11], [sflag:$0x5] =	stream.indirect_vreg.gather [hbm4b:s2+s3], $0x80, v4, vm0, $0xb8;
	[tilespmem:$0x18800] =	vst v63  }
0x18d: {  	_ = 	snop  }
0x18e: {  	[tilespmem:s12], [sflag:$0x5] =	stream.indirect_vreg.gather [hbm4b:s5+s3], $0x80, v4, vm0, $0xb8;
	[tilespmem:$0x18800] =	vst v63  }
0x18f: {  	_ = 	snop  }
0x190: {  	[tilespmem:s9], [sflag:$0x5] =	stream.indirect_vreg.gather [hbm4b:s2+s3], $0x80, v3, vm0, $0xb8;
	[tilespmem:$0x18800] =	vst v63  }
0x191: {  	_ = 	snop  }
0x192: {  	[tilespmem:s10], [sflag:$0x5] =	stream.indirect_vreg.gather [hbm4b:s5+s3], $0x80, v3, vm0, $0xb8;
	[tilespmem:$0x18800] =	vst v63  }
0x193: {  	_ =	swait.ge [sflag:s28], $0x4000  }
0x194: {  	[sflag:s28] =	ssyncset.done $0x0  }
0x195: {  	s8 =	simm.s32 $0xC;
	s10 =	rddreg [dreg:$0xa];
	[sflag:s28] =	ssyncadd.s32 $0xFFFFC000  }
0x196: {  	[hbm4b:s10+s3] =	stream.linear.scatter [tilespmem:s16], [sflag:$0x7], $0x4000, $0x38;
	[tilespmem:$0x18800] =	vst v63  }
0x197: {  	_ =	swait.ge [sflag:s8], $0x4000  }
0x198: {  	[sflag:s8] =	ssyncset.done $0x0  }
0x199: {  	[sflag:s8] =	ssyncadd.s32 $0xFFFFC000  }
0x19a: {  	v3 =	vld [tilespmem:$0x580];
	_ =	sdelay $0x4  }
0x19b: {  	v54 =	vshll.u32 v3, $0x2  }
0x19c: {  	v3 =	vand.u32 $0x7, v3;
	v4 =	vand.u32 $0xFFFFFFE0, v54  }
0x19d: {  	v3 =	vor.u32 v3, v4  }
0x19e: {  	v4 =	vperm.xlane v3, v0;
	_ =	sdelay $0x1  }
0x19f: {  	v4 =	vadd.s32 v1, v4;
	_ =	sdelay $0x1  }
0x1a0: {  	v3 =	vperm.xlane v3, v2;
	_ =	sdelay $0x1  }
0x1a1: {  	v3 =	vadd.s32 v1, v3  }
0x1a2: {  	[tilespmem:s17], [sflag:$0x6] =	stream.indirect_vreg.gather [hbm4b:s2+s3], $0x80, v4, vm0, $0xb8;
	[tilespmem:$0x18800] =	vst v63  }
0x1a3: {  	s31 =	simm.s32 $0x15000  }
0x1a4: {  	[tilespmem:s31], [sflag:$0x6] =	stream.indirect_vreg.gather [hbm4b:s5+s3], $0x80, v4, vm0, $0xb8;
	[tilespmem:$0x18800] =	vst v63  }
0x1a5: {  	s31 =	simm.s32 $0x15800  }
0x1a6: {  	[tilespmem:s31], [sflag:$0x6] =	stream.indirect_vreg.gather [hbm4b:s2+s3], $0x80, v3, vm0, $0xb8;
	[tilespmem:$0x18800] =	vst v63  }
0x1a7: {  	s31 =	simm.s32 $0x16000  }
0x1a8: {  	[tilespmem:s31], [sflag:$0x6] =	stream.indirect_vreg.gather [hbm4b:s5+s3], $0x80, v3, vm0, $0xb8;
	[tilespmem:$0x18800] =	vst v63  }
0x1a9: {  	v3 =	vld [tilespmem:$0x590];
	_ =	sdelay $0x4  }
0x1aa: {  	v55 =	vshll.u32 v3, $0x2  }
0x1ab: {  	v3 =	vand.u32 $0x7, v3;
	v4 =	vand.u32 $0xFFFFFFE0, v55  }
0x1ac: {  	v3 =	vor.u32 v3, v4  }
0x1ad: {  	v4 =	vperm.xlane v3, v0;
	_ =	sdelay $0x1  }
0x1ae: {  	v4 =	vadd.s32 v1, v4;
	_ =	sdelay $0x1  }
0x1af: {  	v3 =	vperm.xlane v3, v2;
	_ =	sdelay $0x1  }
0x1b0: {  	v3 =	vadd.s32 v1, v3  }
0x1b1: {  	[tilespmem:s29], [sflag:$0x6] =	stream.indirect_vreg.gather [hbm4b:s2+s3], $0x80, v4, vm0, $0xb8;
	[tilespmem:$0x18800] =	vst v63  }
0x1b2: {  	_ = 	snop  }
0x1b3: {  	[tilespmem:s30], [sflag:$0x6] =	stream.indirect_vreg.gather [hbm4b:s5+s3], $0x80, v4, vm0, $0xb8;
	[tilespmem:$0x18800] =	vst v63  }
0x1b4: {  	s31 =	simm.s32 $0x17800  }
0x1b5: {  	[tilespmem:s31], [sflag:$0x6] =	stream.indirect_vreg.gather [hbm4b:s2+s3], $0x80, v3, vm0, $0xb8;
	[tilespmem:$0x18800] =	vst v63  }
0x1b6: {  	s31 =	simm.s32 $0x18000  }
0x1b7: {  	[tilespmem:s31], [sflag:$0x6] =	stream.indirect_vreg.gather [hbm4b:s5+s3], $0x80, v3, vm0, $0xb8;
	[tilespmem:$0x18800] =	vst v63  }
0x1b8: {  	_ =	swait.ge [sflag:s18], $0x4000  }
0x1b9: {  	[sflag:s18] =	ssyncset.done $0x0  }
0x1ba: {  	s10 =	rddreg [dreg:$0xb];
	[sflag:s18] =	ssyncadd.s32 $0xFFFFC000  }
0x1bb: {  	[hbm4b:s10+s3] =	stream.linear.scatter [tilespmem:s24], [sflag:$0x8], $0x4000, $0x38;
	[tilespmem:$0x18800] =	vst v63  }
0x1bc: {  	_ =	swait.ge [sflag:s19], $0x4000  }
0x1bd: {  	[sflag:s19] =	ssyncset.done $0x0  }
0x1be: {  	[sflag:s19] =	ssyncadd.s32 $0xFFFFC000  }
0x1bf: {  	v3 =	vld [tilespmem:$0x600];
	_ =	sdelay $0x4  }
0x1c0: {  	v56 =	vshll.u32 v3, $0x2  }
0x1c1: {  	v3 =	vand.u32 $0x7, v3;
	v4 =	vand.u32 $0xFFFFFFE0, v56  }
0x1c2: {  	v3 =	vor.u32 v3, v4  }
0x1c3: {  	v4 =	vperm.xlane v3, v0;
	_ =	sdelay $0x1  }
0x1c4: {  	v4 =	vadd.s32 v1, v4;
	_ =	sdelay $0x1  }
0x1c5: {  	v3 =	vperm.xlane v3, v2;
	_ =	sdelay $0x1  }
0x1c6: {  	v3 =	vadd.s32 v1, v3  }
0x1c7: {  	[tilespmem:s16], [sflag:$0x1] =	stream.indirect_vreg.gather [hbm4b:s2+s3], $0x80, v4, vm0, $0xb8;
	[tilespmem:$0x18800] =	vst v63  }
0x1c8: {  	s31 =	simm.s32 $0x1000  }
0x1c9: {  	[tilespmem:s31], [sflag:$0x1] =	stream.indirect_vreg.gather [hbm4b:s5+s3], $0x80, v4, vm0, $0xb8;
	[tilespmem:$0x18800] =	vst v63  }
0x1ca: {  	s31 =	simm.s32 $0x1800  }
0x1cb: {  	[tilespmem:s31], [sflag:$0x1] =	stream.indirect_vreg.gather [hbm4b:s2+s3], $0x80, v3, vm0, $0xb8;
	[tilespmem:$0x18800] =	vst v63  }
0x1cc: {  	s31 =	simm.s32 $0x2000  }
0x1cd: {  	[tilespmem:s31], [sflag:$0x1] =	stream.indirect_vreg.gather [hbm4b:s5+s3], $0x80, v3, vm0, $0xb8;
	[tilespmem:$0x18800] =	vst v63  }
0x1ce: {  	v3 =	vld [tilespmem:$0x610];
	_ =	sdelay $0x4  }
0x1cf: {  	v57 =	vshll.u32 v3, $0x2  }
0x1d0: {  	v3 =	vand.u32 $0x7, v3;
	v4 =	vand.u32 $0xFFFFFFE0, v57  }
0x1d1: {  	v3 =	vor.u32 v3, v4  }
0x1d2: {  	v4 =	vperm.xlane v3, v0;
	_ =	sdelay $0x1  }
0x1d3: {  	v4 =	vadd.s32 v1, v4;
	_ =	sdelay $0x1  }
0x1d4: {  	v3 =	vperm.xlane v3, v2;
	_ =	sdelay $0x1  }
0x1d5: {  	s31 =	simm.s32 $0x2800;
	v3 =	vadd.s32 v1, v3  }
0x1d6: {  	[tilespmem:s31], [sflag:$0x1] =	stream.indirect_vreg.gather [hbm4b:s2+s3], $0x80, v4, vm0, $0xb8;
	[tilespmem:$0x18800] =	vst v63  }
0x1d7: {  	s31 =	simm.s32 $0x3000  }
0x1d8: {  	[tilespmem:s31], [sflag:$0x1] =	stream.indirect_vreg.gather [hbm4b:s5+s3], $0x80, v4, vm0, $0xb8;
	[tilespmem:$0x18800] =	vst v63  }
0x1d9: {  	s31 =	simm.s32 $0x3800  }
0x1da: {  	[tilespmem:s31], [sflag:$0x1] =	stream.indirect_vreg.gather [hbm4b:s2+s3], $0x80, v3, vm0, $0xb8;
	[tilespmem:$0x18800] =	vst v63  }
0x1db: {  	s31 =	simm.s32 $0x4000  }
0x1dc: {  	[tilespmem:s31], [sflag:$0x1] =	stream.indirect_vreg.gather [hbm4b:s5+s3], $0x80, v3, vm0, $0xb8;
	[tilespmem:$0x18800] =	vst v63  }
0x1dd: {  	_ =	swait.ge [sflag:s20], $0x4000  }
0x1de: {  	[sflag:s20] =	ssyncset.done $0x0  }
0x1df: {  	s10 =	rddreg [dreg:$0xc];
	[sflag:s20] =	ssyncadd.s32 $0xFFFFC000  }
0x1e0: {  	[hbm4b:s10+s3] =	stream.linear.scatter [tilespmem:s7], [sflag:$0x9], $0x4000, $0x38;
	[tilespmem:$0x18800] =	vst v63  }
0x1e1: {  	_ =	swait.ge [sflag:s21], $0x4000  }
0x1e2: {  	[sflag:s21] =	ssyncset.done $0x0  }
0x1e3: {  	[sflag:s21] =	ssyncadd.s32 $0xFFFFC000  }
0x1e4: {  	v3 =	vld [tilespmem:$0x680];
	_ =	sdelay $0x4  }
0x1e5: {  	v58 =	vshll.u32 v3, $0x2  }
0x1e6: {  	v3 =	vand.u32 $0x7, v3;
	v4 =	vand.u32 $0xFFFFFFE0, v58  }
0x1e7: {  	v3 =	vor.u32 v3, v4  }
0x1e8: {  	v4 =	vperm.xlane v3, v0;
	_ =	sdelay $0x1  }
0x1e9: {  	v4 =	vadd.s32 v1, v4;
	_ =	sdelay $0x1  }
0x1ea: {  	v3 =	vperm.xlane v3, v2;
	_ =	sdelay $0x1  }
0x1eb: {  	v3 =	vadd.s32 v1, v3  }
0x1ec: {  	[tilespmem:s24], [sflag:$0x2] =	stream.indirect_vreg.gather [hbm4b:s2+s3], $0x80, v4, vm0, $0xb8;
	[tilespmem:$0x18800] =	vst v63  }
0x1ed: {  	s31 =	simm.s32 $0x5000  }
0x1ee: {  	[tilespmem:s31], [sflag:$0x2] =	stream.indirect_vreg.gather [hbm4b:s5+s3], $0x80, v4, vm0, $0xb8;
	[tilespmem:$0x18800] =	vst v63  }
0x1ef: {  	s31 =	simm.s32 $0x5800  }
0x1f0: {  	[tilespmem:s31], [sflag:$0x2] =	stream.indirect_vreg.gather [hbm4b:s2+s3], $0x80, v3, vm0, $0xb8;
	[tilespmem:$0x18800] =	vst v63  }
0x1f1: {  	s31 =	simm.s32 $0x6000  }
0x1f2: {  	[tilespmem:s31], [sflag:$0x2] =	stream.indirect_vreg.gather [hbm4b:s5+s3], $0x80, v3, vm0, $0xb8;
	[tilespmem:$0x18800] =	vst v63  }
0x1f3: {  	v3 =	vld [tilespmem:$0x690];
	_ =	sdelay $0x4  }
0x1f4: {  	v59 =	vshll.u32 v3, $0x2  }
0x1f5: {  	v3 =	vand.u32 $0x7, v3;
	v4 =	vand.u32 $0xFFFFFFE0, v59  }
0x1f6: {  	v3 =	vor.u32 v3, v4  }
0x1f7: {  	v4 =	vperm.xlane v3, v0;
	_ =	sdelay $0x1  }
0x1f8: {  	v4 =	vadd.s32 v1, v4;
	_ =	sdelay $0x1  }
0x1f9: {  	v3 =	vperm.xlane v3, v2;
	_ =	sdelay $0x1  }
0x1fa: {  	s31 =	simm.s32 $0x6800;
	v3 =	vadd.s32 v1, v3  }
0x1fb: {  	[tilespmem:s31], [sflag:$0x2] =	stream.indirect_vreg.gather [hbm4b:s2+s3], $0x80, v4, vm0, $0xb8;
	[tilespmem:$0x18800] =	vst v63  }
0x1fc: {  	s31 =	simm.s32 $0x7000  }
0x1fd: {  	[tilespmem:s31], [sflag:$0x2] =	stream.indirect_vreg.gather [hbm4b:s5+s3], $0x80, v4, vm0, $0xb8;
	[tilespmem:$0x18800] =	vst v63  }
0x1fe: {  	s31 =	simm.s32 $0x7800  }
0x1ff: {  	[tilespmem:s31], [sflag:$0x2] =	stream.indirect_vreg.gather [hbm4b:s2+s3], $0x80, v3, vm0, $0xb8;
	[tilespmem:$0x18800] =	vst v63  }
0x200: {  	s31 =	simm.s32 $0x8000  }
0x201: {  	[tilespmem:s31], [sflag:$0x2] =	stream.indirect_vreg.gather [hbm4b:s5+s3], $0x80, v3, vm0, $0xb8;
	[tilespmem:$0x18800] =	vst v63  }
0x202: {  	_ =	swait.ge [sflag:s22], $0x4000  }
0x203: {  	[sflag:s22] =	ssyncset.done $0x0  }
0x204: {  	s10 =	rddreg [dreg:$0xd];
	[sflag:s22] =	ssyncadd.s32 $0xFFFFC000  }
0x205: {  	[hbm4b:s10+s3] =	stream.linear.scatter [tilespmem:s25], [sflag:$0xA], $0x4000, $0x38;
	[tilespmem:$0x18800] =	vst v63  }
0x206: {  	_ =	swait.ge [sflag:s23], $0x4000  }
0x207: {  	[sflag:s23] =	ssyncset.done $0x0  }
0x208: {  	[sflag:s23] =	ssyncadd.s32 $0xFFFFC000  }
0x209: {  	v3 =	vld [tilespmem:$0x700];
	_ =	sdelay $0x4  }
0x20a: {  	v60 =	vshll.u32 v3, $0x2  }
0x20b: {  	v3 =	vand.u32 $0x7, v3;
	v4 =	vand.u32 $0xFFFFFFE0, v60  }
0x20c: {  	v3 =	vor.u32 v3, v4  }
0x20d: {  	v4 =	vperm.xlane v3, v0;
	_ =	sdelay $0x1  }
0x20e: {  	v4 =	vadd.s32 v1, v4;
	_ =	sdelay $0x1  }
0x20f: {  	v3 =	vperm.xlane v3, v2;
	_ =	sdelay $0x1  }
0x210: {  	v3 =	vadd.s32 v1, v3  }
0x211: {  	[tilespmem:s7], [sflag:$0x3] =	stream.indirect_vreg.gather [hbm4b:s2+s3], $0x80, v4, vm0, $0xb8;
	[tilespmem:$0x18800] =	vst v63  }
0x212: {  	s31 =	simm.s32 $0x9000  }
0x213: {  	[tilespmem:s31], [sflag:$0x3] =	stream.indirect_vreg.gather [hbm4b:s5+s3], $0x80, v4, vm0, $0xb8;
	[tilespmem:$0x18800] =	vst v63  }
0x214: {  	s31 =	simm.s32 $0x9800  }
0x215: {  	[tilespmem:s31], [sflag:$0x3] =	stream.indirect_vreg.gather [hbm4b:s2+s3], $0x80, v3, vm0, $0xb8;
	[tilespmem:$0x18800] =	vst v63  }
0x216: {  	s31 =	simm.s32 $0xA000  }
0x217: {  	[tilespmem:s31], [sflag:$0x3] =	stream.indirect_vreg.gather [hbm4b:s5+s3], $0x80, v3, vm0, $0xb8;
	[tilespmem:$0x18800] =	vst v63  }
0x218: {  	v3 =	vld [tilespmem:$0x710];
	_ =	sdelay $0x4  }
0x219: {  	v61 =	vshll.u32 v3, $0x2  }
0x21a: {  	v3 =	vand.u32 $0x7, v3;
	v4 =	vand.u32 $0xFFFFFFE0, v61  }
0x21b: {  	v3 =	vor.u32 v3, v4  }
0x21c: {  	v4 =	vperm.xlane v3, v0;
	_ =	sdelay $0x1  }
0x21d: {  	v4 =	vadd.s32 v1, v4;
	_ =	sdelay $0x1  }
0x21e: {  	v3 =	vperm.xlane v3, v2;
	_ =	sdelay $0x1  }
0x21f: {  	s31 =	simm.s32 $0xA800;
	v3 =	vadd.s32 v1, v3  }
0x220: {  	[tilespmem:s31], [sflag:$0x3] =	stream.indirect_vreg.gather [hbm4b:s2+s3], $0x80, v4, vm0, $0xb8;
	[tilespmem:$0x18800] =	vst v63  }
0x221: {  	s31 =	simm.s32 $0xB000  }
0x222: {  	[tilespmem:s31], [sflag:$0x3] =	stream.indirect_vreg.gather [hbm4b:s5+s3], $0x80, v4, vm0, $0xb8;
	[tilespmem:$0x18800] =	vst v63  }
0x223: {  	s31 =	simm.s32 $0xB800  }
0x224: {  	[tilespmem:s31], [sflag:$0x3] =	stream.indirect_vreg.gather [hbm4b:s2+s3], $0x80, v3, vm0, $0xb8;
	[tilespmem:$0x18800] =	vst v63  }
0x225: {  	s31 =	simm.s32 $0xC000  }
0x226: {  	[tilespmem:s31], [sflag:$0x3] =	stream.indirect_vreg.gather [hbm4b:s5+s3], $0x80, v3, vm0, $0xb8;
	[tilespmem:$0x18800] =	vst v63  }
0x227: {  	_ =	swait.ge [sflag:s0], $0x4000  }
0x228: {  	[sflag:s0] =	ssyncset.done $0x0  }
0x229: {  	s10 =	rddreg [dreg:$0xe];
	[sflag:s0] =	ssyncadd.s32 $0xFFFFC000  }
0x22a: {  	[hbm4b:s10+s3] =	stream.linear.scatter [tilespmem:s13], [sflag:$0xB], $0x4000, $0x38;
	[tilespmem:$0x18800] =	vst v63  }
0x22b: {  	_ =	swait.ge [sflag:s26], $0x4000  }
0x22c: {  	[sflag:s26] =	ssyncset.done $0x0  }
0x22d: {  	[sflag:s26] =	ssyncadd.s32 $0xFFFFC000  }
0x22e: {  	v3 =	vld [tilespmem:$0x780];
	_ =	sdelay $0x4  }
0x22f: {  	v62 =	vshll.u32 v3, $0x2  }
0x230: {  	v3 =	vand.u32 $0x7, v3;
	v4 =	vand.u32 $0xFFFFFFE0, v62  }
0x231: {  	v3 =	vor.u32 v3, v4  }
0x232: {  	v4 =	vperm.xlane v3, v0;
	_ =	sdelay $0x1  }
0x233: {  	v4 =	vadd.s32 v1, v4;
	_ =	sdelay $0x1  }
0x234: {  	v3 =	vperm.xlane v3, v2;
	_ =	sdelay $0x1  }
0x235: {  	v3 =	vadd.s32 v1, v3  }
0x236: {  	[tilespmem:s25], [sflag:$0x4] =	stream.indirect_vreg.gather [hbm4b:s2+s3], $0x80, v4, vm0, $0xb8;
	[tilespmem:$0x18800] =	vst v63  }
0x237: {  	s31 =	simm.s32 $0xD000  }
0x238: {  	[tilespmem:s31], [sflag:$0x4] =	stream.indirect_vreg.gather [hbm4b:s5+s3], $0x80, v4, vm0, $0xb8;
	[tilespmem:$0x18800] =	vst v63  }
0x239: {  	s10 =	simm.s32 $0xD800  }
0x23a: {  	[tilespmem:s10], [sflag:$0x4] =	stream.indirect_vreg.gather [hbm4b:s2+s3], $0x80, v3, vm0, $0xb8;
	[tilespmem:$0x18800] =	vst v63  }
0x23b: {  	s31 =	simm.s32 $0xE000  }
0x23c: {  	[tilespmem:s31], [sflag:$0x4] =	stream.indirect_vreg.gather [hbm4b:s5+s3], $0x80, v3, vm0, $0xb8;
	[tilespmem:$0x18800] =	vst v63  }
0x23d: {  	v3 =	vld [tilespmem:$0x790];
	_ =	sdelay $0x4  }
0x23e: {  	v63 =	vshll.u32 v3, $0x2  }
0x23f: {  	v3 =	vand.u32 $0x7, v3;
	v4 =	vand.u32 $0xFFFFFFE0, v63  }
0x240: {  	v3 =	vor.u32 v3, v4  }
0x241: {  	v4 =	vperm.xlane v3, v0;
	_ =	sdelay $0x1  }
0x242: {  	v4 =	vadd.s32 v1, v4;
	_ =	sdelay $0x1  }
0x243: {  	v3 =	vperm.xlane v3, v2;
	_ =	sdelay $0x1  }
0x244: {  	s10 =	simm.s32 $0xE800;
	v3 =	vadd.s32 v1, v3  }
0x245: {  	[tilespmem:s10], [sflag:$0x4] =	stream.indirect_vreg.gather [hbm4b:s2+s3], $0x80, v4, vm0, $0xb8;
	[tilespmem:$0x18800] =	vst v63  }
0x246: {  	s31 =	simm.s32 $0xF000  }
0x247: {  	[tilespmem:s31], [sflag:$0x4] =	stream.indirect_vreg.gather [hbm4b:s5+s3], $0x80, v4, vm0, $0xb8;
	[tilespmem:$0x18800] =	vst v63  }
0x248: {  	s10 =	simm.s32 $0xF800  }
0x249: {  	[tilespmem:s10], [sflag:$0x4] =	stream.indirect_vreg.gather [hbm4b:s2+s3], $0x80, v3, vm0, $0xb8;
	[tilespmem:$0x18800] =	vst v63  }
0x24a: {  	s31 =	simm.s32 $0x10000  }
0x24b: {  	[tilespmem:s31], [sflag:$0x4] =	stream.indirect_vreg.gather [hbm4b:s5+s3], $0x80, v3, vm0, $0xb8;
	[tilespmem:$0x18800] =	vst v63  }
0x24c: {  	_ =	swait.ge [sflag:s1], $0x4000  }
0x24d: {  	[sflag:s1] =	ssyncset.done $0x0  }
0x24e: {  	s9 =	simm.s32 $0x14800;
	s10 =	rddreg [dreg:$0xf];
	[sflag:s1] =	ssyncadd.s32 $0xFFFFC000  }
0x24f: {  	[hbm4b:s10+s3] =	stream.linear.scatter [tilespmem:s9], [sflag:$0xC], $0x4000, $0x38;
	[tilespmem:$0x18800] =	vst v63  }
0x250: {  	_ =	swait.ge [sflag:s28], $0x4000  }
0x251: {  	[sflag:s28] =	ssyncset.done $0x0  }
0x252: {  	s0 =	rddreg [dreg:$0x10];
	[sflag:s28] =	ssyncadd.s32 $0xFFFFC000  }
0x253: {  	[hbm4b:s0+s3] =	stream.linear.scatter [tilespmem:s16], [sflag:$0x7], $0x4000, $0x38;
	[tilespmem:$0x18800] =	vst v63  }
0x254: {  	_ =	swait.ge [sflag:s18], $0x4000  }
0x255: {  	[sflag:s18] =	ssyncset.done $0x0  }
0x256: {  	s1 =	rddreg [dreg:$0x11];
	[sflag:s18] =	ssyncadd.s32 $0xFFFFC000  }
0x257: {  	[hbm4b:s1+s3] =	stream.linear.scatter [tilespmem:s24], [sflag:$0x8], $0x4000, $0x38;
	[tilespmem:$0x18800] =	vst v63  }
0x258: {  	_ =	swait.ge [sflag:s20], $0x4000  }
0x259: {  	[sflag:s20] =	ssyncset.done $0x0  }
0x25a: {  	s9 =	rddreg [dreg:$0x12];
	[sflag:s20] =	ssyncadd.s32 $0xFFFFC000  }
0x25b: {  	[hbm4b:s9+s3] =	stream.linear.scatter [tilespmem:s7], [sflag:$0x9], $0x4000, $0x38;
	[tilespmem:$0x18800] =	vst v63  }
0x25c: {  	_ =	swait.ge [sflag:s22], $0x4000  }
0x25d: {  	[sflag:s22] =	ssyncset.done $0x0  }
0x25e: {  	s10 =	rddreg [dreg:$0x13];
	[sflag:s22] =	ssyncadd.s32 $0xFFFFC000  }
0x25f: {  	[hbm4b:s10+s3] =	stream.linear.scatter [tilespmem:s25], [sflag:$0xA], $0x4000, $0x38;
	[tilespmem:$0x18800] =	vst v63  }
0x260: {  	_ =	swait.ge [sflag:s4], $0x4000  }
0x261: {  	[sflag:s4] =	ssyncset.done $0x0  }
0x262: {  	[sflag:s4] =	ssyncadd.s32 $0xFFFFC000  }
0x263: {  	_ =	swait.ge [sflag:s8], $0x4000  }
0x264: {  	[sflag:s8] =	ssyncset.done $0x0  }
0x265: {  	[sflag:s8] =	ssyncadd.s32 $0xFFFFC000  }
0x266: {  	_ =	swait.ge [sflag:s19], $0x4000  }
0x267: {  	[sflag:s19] =	ssyncset.done $0x0  }
0x268: {  	[sflag:s19] =	ssyncadd.s32 $0xFFFFC000  }
0x269: {  	_ =	swait.ge [sflag:s21], $0x4000  }
0x26a: {  	[sflag:s21] =	ssyncset.done $0x0  }
0x26b: {  	[sflag:s21] =	ssyncadd.s32 $0xFFFFC000  }
0x26c: {  	p0 =	sne.s32 s6, $0x1;
	_ =	swait.ge [sflag:s23], $0x4000  }
.Ltmp0:
0x26d: {  	[sflag:s23] =	ssyncset.done $0x0;
	(pc) =	sbr.rel @p0 .LBB2_1-.Ltmp0, $4  }
0x26e: {  	[sflag:s23] =	ssyncadd.s32 $0xFFFFC000  }
0x26f: {  	_ =	swait.ge [sflag:s26], $0x4000  }
0x270: {  	[sflag:s26] =	ssyncset.done $0x0  }
0x271: {  	s6 =	sadd.s32 $0xFFFFFFFF, s6;
	[sflag:s26] =	ssyncadd.s32 $0xFFFFC000  }
0x272: {  	_ =	sfence.sel $0x180000  }
0x273: {  	[bflag:$0x0] =	sbarrier.arrive $0xFFFF  }
0x274: {  	_ =	strace $0x90000047  }
0x275: {  	s0 =	stileid.u32;
	[bflag:$0x2] =	sbarrier.arrive $0xFFFF  }
0x276: {  	p0 =	sne.s32 s0, $0x0;
	s0 =	rddreg [dreg:$0x3]  }
0x277: {  	s0 =	sadd.s32 @!p0 $0x100000, s0  }
0x278: {  	[sflag:s0] =	ssyncadd.tile.s32 @!p0 $0x1;
	_ =	shalt  }
.Lfunc_end2:
_tile_overlayer_lowered:
.L_overlay_start_2:
0x279: {  	(tag) =	ssettag $0x2  }
0x27a: {  	s0 =	rddreg [dreg:$0x0];
	s2 =	stileid.u32  }
0x27b: {  	s1 =	rddreg [dreg:$0x1];
	p0 =	sne.s32 s2, $0x0  }
0x27c: {  	s3 =	rddreg [dreg:$0x2];
	[bflag:$0x3] =	sbarrier.arrive $0xFFFF;
	s2 =	simm.s32 @!p0 $0x1C0E  }
0x27d: {  	[timem:s3], [sflag:s2] =	dma.local @!p0 [hbm:s0], s1  }
0x27e: {  	s0 =	simm.s32 @!p0 $0xE  }
0x27f: {  	_ =	swait.ge @!p0 [sflag:s0], s1  }
0x280: {  	s1 =	ssub.s32 @!p0 $0x0, s1;
	[sflag:s0] =	ssyncset.done @!p0 $0x0  }
0x281: {  	[sflag:s0] =	ssyncadd.s32 @!p0 s1  }
0x282: {  	[bflag:$0x3] =	sbarrier.arrive $0xFFFF  }
0x283: {  	_ =	shalt  }

</sc_bundles>
